<compile_context>
chip_gen: v7x
topology: tpu7x:2x2x1
jax: 0.10.2.dev20260603
libtpu: 0.0.44.dev20260713+nightly
codegen_flags: <defaults>
</compile_context>

<pallas_src>
import functools

import jax
import jax.numpy as jnp
from jax import lax
from jax.experimental import pallas as pl
from jax.experimental.pallas import tpu as pltpu
from jax.experimental.pallas import tpu_sc as plsc

_INFO = plsc.get_sparse_core_info()
_NC = _INFO.num_cores
_NS = _INFO.num_subcores
_NW = _NC * _NS
_CHUNK = 32
_NBUF = 4


def _make_gather(B, V, D):
  b_per_w = B // _NW
  n_chunks = b_per_w // _CHUNK
  n_groups = n_chunks // _NBUF
  stage = -(-V // _NS)
  stage_last = V - stage * (_NS - 1)
  mesh = plsc.VectorSubcoreMesh(core_axis_name="c", subcore_axis_name="s")

  @functools.partial(
      pl.kernel,
      mesh=mesh,
      out_type=jax.ShapeDtypeStruct((B, 1, 1, D), jnp.float32),
      scratch_types=[
          pltpu.VMEM_SHARED((V, 1, 1, D), jnp.float32),
          pltpu.VMEM((b_per_w,), jnp.int32),
          pltpu.VMEM((_NBUF, _CHUNK, 1, 1, D), jnp.float32),
          pltpu.SemaphoreType.DMA((_NBUF,)),
          pltpu.SemaphoreType.DMA((_NBUF,)),
          pltpu.SemaphoreType.DMA,
      ],
  )
  def gather_kernel(t_hbm, table_hbm, out_hbm, table_sp, idx_v, rows_v,
                    gsem, wsem, ssem):
    cid = lax.axis_index("c")
    sid = lax.axis_index("s")
    wid = sid * _NC + cid
    base = wid * b_per_w

    pltpu.async_copy(t_hbm.at[pl.ds(base, b_per_w)], idx_v, ssem)

    @pl.when(sid < _NS - 1)
    def _stage():
      pltpu.sync_copy(table_hbm.at[pl.ds(sid * stage, stage)],
                      table_sp.at[pl.ds(sid * stage, stage)])

    @pl.when(sid == _NS - 1)
    def _stage_tail():
      pltpu.sync_copy(table_hbm.at[pl.ds((_NS - 1) * stage, stage_last)],
                      table_sp.at[pl.ds((_NS - 1) * stage, stage_last)])

    pltpu.make_async_copy(t_hbm.at[pl.ds(base, b_per_w)], idx_v, ssem).wait()
    plsc.subcore_barrier()

    def chunk_idx(c):
      return idx_v.at[pl.ds(c * _CHUNK, _CHUNK)]

    for b in range(_NBUF):
      pltpu.async_copy(table_sp.at[chunk_idx(b)], rows_v.at[b], gsem.at[b])

    def group(g, _):
      for b in range(_NBUF):
        c = g * _NBUF + b
        out_slc = out_hbm.at[pl.ds(base + c * _CHUNK, _CHUNK)]
        pltpu.make_async_copy(table_sp.at[chunk_idx(c)], rows_v.at[b],
                              gsem.at[b]).wait()
        pltpu.async_copy(rows_v.at[b], out_slc, wsem.at[b])
      for b in range(_NBUF):
        c = g * _NBUF + b
        out_slc = out_hbm.at[pl.ds(base + c * _CHUNK, _CHUNK)]
        pltpu.make_async_copy(rows_v.at[b], out_slc, wsem.at[b]).wait()

        @pl.when(g < n_groups - 1)
        def _next():
          pltpu.async_copy(table_sp.at[chunk_idx(c + _NBUF)], rows_v.at[b],
                           gsem.at[b])

    lax.fori_loop(0, n_groups, group, None, unroll=False)

  return gather_kernel


def kernel(t, table):
  B = t.shape[0]
  V, D = table.shape
  out = _make_gather(B, V, D)(t.astype(jnp.int32), table[:, None, None, :])
  return out.reshape(B, D, 1, 1)

# --- scband reference (transcript-rebuilt; emitter-appended) ---
"""Pipeline reference for scband-sinusoidal-embeddings-33260226740325 (READ-ONLY COPY).

The authoritative reference and input builder live on the scoring server;
editing this copy changes nothing except your own understanding.
"""

import jax, jax.numpy as jnp
import numpy as np
import math

TIME_STEPS = 1000
EMBED_DIM = 512
BATCH = 16384

def _build_table():
    pos = jnp.arange(TIME_STEPS, dtype=jnp.float32)[:, None]
    div = jnp.exp(jnp.arange(0, EMBED_DIM, 2, dtype=jnp.float32) * (-math.log(10000.0) / EMBED_DIM))
    table = jnp.zeros((TIME_STEPS, EMBED_DIM), dtype=jnp.float32)
    table = table.at[:, 0::2].set(jnp.sin(pos * div))
    table = table.at[:, 1::2].set(jnp.cos(pos * div))
    return table

def setup_inputs(seed: int = 0) -> dict:
    key = jax.random.key(seed)
    t = jax.random.randint(key, (BATCH,), 0, TIME_STEPS, dtype=jnp.int64 if jax.config.jax_enable_x64 else jnp.int32)
    table = _build_table()
    return {"t": t, "table": table}

def reference(t, table) -> jnp.ndarray:
    # embeds = self.embedings[t]
    embeds = jnp.take(table, t, axis=0)
    # return embeds[:, :, None, None]
    return embeds[:, :, None, None]

if __name__ == "__main__":
    import jax
    _d = setup_inputs()
    print(jax.jit(kernel)(*tuple(_d.values())))

</pallas_src>

<mosaic_0001>
#map = affine_map<(d0, d1) -> (0)>
#map1 = affine_map<(d0, d1) -> (0, 0, 0, 0)>
module attributes {stable_mosaic.version = 14 : i64} {
  func.func @gather_kernel(%arg0: i32, %arg1: i32, %arg2: memref<16384xi32, #tpu.memory_space<hbm>>, %arg3: memref<1000x1x1x512xf32, #tpu.memory_space<hbm>>, %arg4: memref<16384x1x1x512xf32, #tpu.memory_space<hbm>>, %arg5: memref<1000x1x1x512xf32, #tpu.memory_space<vmem_shared>>, %arg6: memref<512xi32, #tpu.memory_space<vmem>>, %arg7: memref<4x32x1x1x512xf32, #tpu.memory_space<vmem>>, %arg8: memref<4x!tpu.dma_semaphore, #tpu.memory_space<semaphore_mem>>, %arg9: memref<4x!tpu.dma_semaphore, #tpu.memory_space<semaphore_mem>>, %arg10: memref<!tpu.dma_semaphore, #tpu.memory_space<semaphore_mem>>) attributes {dimension_semantics = [#tpu.dimension_semantics<core_parallel>, #tpu.dimension_semantics<subcore_parallel>], iteration_bounds = array<i64: 2, 16>, scalar_prefetch = 0 : i64, scratch_operands = 6 : i64, tpu.core_type = #tpu.core_type<sc_vector_subcore>, window_params = [{transform_indices = #map}, {transform_indices = #map1}, {transform_indices = #map1}]} {
    %mul3A = arith.constant 2 : i32
    %mul3A_0 = arith.muli %arg1, %mul3A : i32
    %add3A = arith.addi %mul3A_0, %arg0 : i32
    %mul3A_1 = arith.constant 512 : i32
    %mul3A_2 = arith.muli %add3A, %mul3A_1 : i32
    %dma_start3A = tpu.memref_slice %arg2[%mul3A_2] : memref<16384xi32, #tpu.memory_space<hbm>> -> memref<512xi32, #tpu.memory_space<hbm>>
    %dma_start3A_3 = tpu.memref_slice %arg2[%mul3A_2] : memref<16384xi32, #tpu.memory_space<hbm>> -> memref<512xi32, #tpu.memory_space<hbm>>
    tpu.enqueue_dma source(%dma_start3A_3 : memref<512xi32, #tpu.memory_space<hbm>>) target(%arg6 : memref<512xi32, #tpu.memory_space<vmem>>) target_semaphore(%arg10 : memref<!tpu.dma_semaphore, #tpu.memory_space<semaphore_mem>>)
    %lt3A = arith.constant 15 : i32
    %lt3A_4 = arith.cmpi slt, %arg1, %lt3A : i32
    %convert_element_type3A = arith.extui %lt3A_4 : i1 to i32
    %cond3A = arith.constant 0 : i32
    %cond3A_5 = arith.cmpi ne, %convert_element_type3A, %cond3A : i32
    scf.if %cond3A_5 {
      %mul3A_83 = arith.constant 63 : i32
      %mul3A_84 = arith.muli %arg1, %mul3A_83 : i32
      %mul3A_85 = arith.constant 63 : i32
      %mul3A_86 = arith.muli %arg1, %mul3A_85 : i32
      "tpu.region"() ({
        %run_scoped3A = tpu.sem_alloc : memref<!tpu.dma_semaphore, #tpu.memory_space<semaphore_mem>>
        %dma_start3A_87 = arith.constant 0 : i32
        %dma_start3A_88 = arith.constant 0 : i32
        %dma_start3A_89 = arith.constant 0 : i32
        %dma_start3A_90 = tpu.memref_slice %arg5[%mul3A_86, %dma_start3A_87, %dma_start3A_88, %dma_start3A_89] : memref<1000x1x1x512xf32, #tpu.memory_space<vmem_shared>> -> memref<63x1x1x512xf32, #tpu.memory_space<vmem_shared>>
        %dma_start3A_91 = arith.constant 0 : i32
        %dma_start3A_92 = arith.constant 0 : i32
        %dma_start3A_93 = arith.constant 0 : i32
        %dma_start3A_94 = tpu.memref_slice %arg3[%mul3A_84, %dma_start3A_91, %dma_start3A_92, %dma_start3A_93] : memref<1000x1x1x512xf32, #tpu.memory_space<hbm>> -> memref<63x1x1x512xf32, #tpu.memory_space<hbm>>
        tpu.enqueue_dma source(%dma_start3A_94 : memref<63x1x1x512xf32, #tpu.memory_space<hbm>>) target(%dma_start3A_90 : memref<63x1x1x512xf32, #tpu.memory_space<vmem_shared>>) target_semaphore(%run_scoped3A : memref<!tpu.dma_semaphore, #tpu.memory_space<semaphore_mem>>)
        %dma_wait3A_95 = arith.constant 0 : i32
        %dma_wait3A_96 = arith.constant 0 : i32
        %dma_wait3A_97 = arith.constant 0 : i32
        %dma_wait3A_98 = tpu.memref_slice %arg5[%mul3A_86, %dma_wait3A_95, %dma_wait3A_96, %dma_wait3A_97] : memref<1000x1x1x512xf32, #tpu.memory_space<vmem_shared>> -> memref<63x1x1x512xf32, #tpu.memory_space<vmem_shared>>
        %dma_wait3A_99 = arith.constant 0 : i32
        %dma_wait3A_100 = arith.constant 0 : i32
        %dma_wait3A_101 = arith.constant 0 : i32
        %dma_wait3A_102 = tpu.memref_slice %arg3[%mul3A_84, %dma_wait3A_99, %dma_wait3A_100, %dma_wait3A_101] : memref<1000x1x1x512xf32, #tpu.memory_space<hbm>> -> memref<63x1x1x512xf32, #tpu.memory_space<hbm>>
        tpu.wait_dma2 semaphore(%run_scoped3A : memref<!tpu.dma_semaphore, #tpu.memory_space<semaphore_mem>>) src(%dma_wait3A_102 : memref<63x1x1x512xf32, #tpu.memory_space<hbm>>) dst(%dma_wait3A_98 : memref<63x1x1x512xf32, #tpu.memory_space<vmem_shared>>)
        tpu.yield
      }) : () -> ()
    } else {
    }
    %eq3A = arith.constant 15 : i32
    %eq3A_6 = arith.cmpi eq, %arg1, %eq3A : i32
    %convert_element_type3A_7 = arith.extui %eq3A_6 : i1 to i32
    %cond3A_8 = arith.constant 0 : i32
    %cond3A_9 = arith.cmpi ne, %convert_element_type3A_7, %cond3A_8 : i32
    scf.if %cond3A_9 {
      "tpu.region"() ({
        %run_scoped3A = tpu.sem_alloc : memref<!tpu.dma_semaphore, #tpu.memory_space<semaphore_mem>>
        %dma_start3A_83 = arith.constant 945 : i32
        %dma_start3A_84 = arith.constant 0 : i32
        %dma_start3A_85 = arith.constant 0 : i32
        %dma_start3A_86 = arith.constant 0 : i32
        %dma_start3A_87 = tpu.memref_slice %arg5[%dma_start3A_83, %dma_start3A_84, %dma_start3A_85, %dma_start3A_86] : memref<1000x1x1x512xf32, #tpu.memory_space<vmem_shared>> -> memref<55x1x1x512xf32, #tpu.memory_space<vmem_shared>>
        %dma_start3A_88 = arith.constant 945 : i32
        %dma_start3A_89 = arith.constant 0 : i32
        %dma_start3A_90 = arith.constant 0 : i32
        %dma_start3A_91 = arith.constant 0 : i32
        %dma_start3A_92 = tpu.memref_slice %arg3[%dma_start3A_88, %dma_start3A_89, %dma_start3A_90, %dma_start3A_91] : memref<1000x1x1x512xf32, #tpu.memory_space<hbm>> -> memref<55x1x1x512xf32, #tpu.memory_space<hbm>>
        tpu.enqueue_dma source(%dma_start3A_92 : memref<55x1x1x512xf32, #tpu.memory_space<hbm>>) target(%dma_start3A_87 : memref<55x1x1x512xf32, #tpu.memory_space<vmem_shared>>) target_semaphore(%run_scoped3A : memref<!tpu.dma_semaphore, #tpu.memory_space<semaphore_mem>>)
        %dma_wait3A_93 = arith.constant 945 : i32
        %dma_wait3A_94 = arith.constant 0 : i32
        %dma_wait3A_95 = arith.constant 0 : i32
        %dma_wait3A_96 = arith.constant 0 : i32
        %dma_wait3A_97 = tpu.memref_slice %arg5[%dma_wait3A_93, %dma_wait3A_94, %dma_wait3A_95, %dma_wait3A_96] : memref<1000x1x1x512xf32, #tpu.memory_space<vmem_shared>> -> memref<55x1x1x512xf32, #tpu.memory_space<vmem_shared>>
        %dma_wait3A_98 = arith.constant 945 : i32
        %dma_wait3A_99 = arith.constant 0 : i32
        %dma_wait3A_100 = arith.constant 0 : i32
        %dma_wait3A_101 = arith.constant 0 : i32
        %dma_wait3A_102 = tpu.memref_slice %arg3[%dma_wait3A_98, %dma_wait3A_99, %dma_wait3A_100, %dma_wait3A_101] : memref<1000x1x1x512xf32, #tpu.memory_space<hbm>> -> memref<55x1x1x512xf32, #tpu.memory_space<hbm>>
        tpu.wait_dma2 semaphore(%run_scoped3A : memref<!tpu.dma_semaphore, #tpu.memory_space<semaphore_mem>>) src(%dma_wait3A_102 : memref<55x1x1x512xf32, #tpu.memory_space<hbm>>) dst(%dma_wait3A_97 : memref<55x1x1x512xf32, #tpu.memory_space<vmem_shared>>)
        tpu.yield
      }) : () -> ()
    } else {
    }
    %dma_wait3A = tpu.memref_slice %arg2[%mul3A_2] : memref<16384xi32, #tpu.memory_space<hbm>> -> memref<512xi32, #tpu.memory_space<hbm>>
    %dma_wait3A_10 = tpu.memref_slice %arg2[%mul3A_2] : memref<16384xi32, #tpu.memory_space<hbm>> -> memref<512xi32, #tpu.memory_space<hbm>>
    tpu.wait_dma2 semaphore(%arg10 : memref<!tpu.dma_semaphore, #tpu.memory_space<semaphore_mem>>) src(%dma_wait3A_10 : memref<512xi32, #tpu.memory_space<hbm>>) dst(%arg6 : memref<512xi32, #tpu.memory_space<vmem>>)
    %barrier3A = arith.constant 0 : index
    tpu.barrier barrier_id(%barrier3A)
    %dma_start3A_11 = arith.constant 0 : i32
    %dma_start3A_12 = arith.constant 0 : i32
    %dma_start3A_13 = arith.constant 0 : i32
    %dma_start3A_14 = arith.constant 0 : i32
    %dma_start3A_15 = arith.constant 0 : i32
    %dma_start3A_16 = arith.constant 0 : i32
    %dma_start3A_17 = tpu.memref_slice %arg7[%dma_start3A_11, %dma_start3A_13, %dma_start3A_14, %dma_start3A_15, %dma_start3A_16] : memref<4x32x1x1x512xf32, #tpu.memory_space<vmem>> -> memref<1x32x1x1x512xf32, #tpu.memory_space<vmem>>
    %dma_start3A_18 = tpu.memref_squeeze %dma_start3A_17 : memref<1x32x1x1x512xf32, #tpu.memory_space<vmem>> -> memref<32x1x1x512xf32, #tpu.memory_space<vmem>>
    %dma_start3A_19 = arith.constant 0 : i32
    %dma_start3A_20 = tpu.memref_slice %arg6[%dma_start3A_19] : memref<512xi32, #tpu.memory_space<vmem>> -> memref<32xi32, #tpu.memory_space<vmem>>
    %dma_start3A_21 = arith.constant 0 : i32
    %dma_start3A_22 = arith.constant 0 : i32
    %dma_start3A_23 = arith.constant 0 : i32
    %dma_start3A_24 = arith.constant 0 : i32
    %dma_start3A_25 = tpu.memref_slice %arg5[%dma_start3A_21, %dma_start3A_22, %dma_start3A_23, %dma_start3A_24] : memref<1000x1x1x512xf32, #tpu.memory_space<vmem_shared>> -> memref<1000x1x1x512xf32, #tpu.memory_space<vmem_shared>>
    %dma_start3A_26 = tpu.memref_slice %arg8[%dma_start3A_12] : memref<4x!tpu.dma_semaphore, #tpu.memory_space<semaphore_mem>> -> memref<1x!tpu.dma_semaphore, #tpu.memory_space<semaphore_mem>>
    %dma_start3A_27 = tpu.memref_squeeze %dma_start3A_26 : memref<1x!tpu.dma_semaphore, #tpu.memory_space<semaphore_mem>> -> memref<!tpu.dma_semaphore, #tpu.memory_space<semaphore_mem>>
    tpu.enqueue_indirect_dma source(%dma_start3A_25 : memref<1000x1x1x512xf32, #tpu.memory_space<vmem_shared>>) target(%dma_start3A_18 : memref<32x1x1x512xf32, #tpu.memory_space<vmem>>) offsets(%dma_start3A_20 : memref<32xi32, #tpu.memory_space<vmem>>) semaphore(%dma_start3A_27 : memref<!tpu.dma_semaphore, #tpu.memory_space<semaphore_mem>>)
    %dma_start3A_28 = arith.constant 1 : i32
    %dma_start3A_29 = arith.constant 1 : i32
    %dma_start3A_30 = arith.constant 0 : i32
    %dma_start3A_31 = arith.constant 0 : i32
    %dma_start3A_32 = arith.constant 0 : i32
    %dma_start3A_33 = arith.constant 0 : i32
    %dma_start3A_34 = tpu.memref_slice %arg7[%dma_start3A_28, %dma_start3A_30, %dma_start3A_31, %dma_start3A_32, %dma_start3A_33] : memref<4x32x1x1x512xf32, #tpu.memory_space<vmem>> -> memref<1x32x1x1x512xf32, #tpu.memory_space<vmem>>
    %dma_start3A_35 = tpu.memref_squeeze %dma_start3A_34 : memref<1x32x1x1x512xf32, #tpu.memory_space<vmem>> -> memref<32x1x1x512xf32, #tpu.memory_space<vmem>>
    %dma_start3A_36 = arith.constant 32 : i32
    %dma_start3A_37 = tpu.memref_slice %arg6[%dma_start3A_36] : memref<512xi32, #tpu.memory_space<vmem>> -> memref<32xi32, #tpu.memory_space<vmem>>
    %dma_start3A_38 = arith.constant 0 : i32
    %dma_start3A_39 = arith.constant 0 : i32
    %dma_start3A_40 = arith.constant 0 : i32
    %dma_start3A_41 = arith.constant 0 : i32
    %dma_start3A_42 = tpu.memref_slice %arg5[%dma_start3A_38, %dma_start3A_39, %dma_start3A_40, %dma_start3A_41] : memref<1000x1x1x512xf32, #tpu.memory_space<vmem_shared>> -> memref<1000x1x1x512xf32, #tpu.memory_space<vmem_shared>>
    %dma_start3A_43 = tpu.memref_slice %arg8[%dma_start3A_29] : memref<4x!tpu.dma_semaphore, #tpu.memory_space<semaphore_mem>> -> memref<1x!tpu.dma_semaphore, #tpu.memory_space<semaphore_mem>>
    %dma_start3A_44 = tpu.memref_squeeze %dma_start3A_43 : memref<1x!tpu.dma_semaphore, #tpu.memory_space<semaphore_mem>> -> memref<!tpu.dma_semaphore, #tpu.memory_space<semaphore_mem>>
    tpu.enqueue_indirect_dma source(%dma_start3A_42 : memref<1000x1x1x512xf32, #tpu.memory_space<vmem_shared>>) target(%dma_start3A_35 : memref<32x1x1x512xf32, #tpu.memory_space<vmem>>) offsets(%dma_start3A_37 : memref<32xi32, #tpu.memory_space<vmem>>) semaphore(%dma_start3A_44 : memref<!tpu.dma_semaphore, #tpu.memory_space<semaphore_mem>>)
    %dma_start3A_45 = arith.constant 2 : i32
    %dma_start3A_46 = arith.constant 2 : i32
    %dma_start3A_47 = arith.constant 0 : i32
    %dma_start3A_48 = arith.constant 0 : i32
    %dma_start3A_49 = arith.constant 0 : i32
    %dma_start3A_50 = arith.constant 0 : i32
    %dma_start3A_51 = tpu.memref_slice %arg7[%dma_start3A_45, %dma_start3A_47, %dma_start3A_48, %dma_start3A_49, %dma_start3A_50] : memref<4x32x1x1x512xf32, #tpu.memory_space<vmem>> -> memref<1x32x1x1x512xf32, #tpu.memory_space<vmem>>
    %dma_start3A_52 = tpu.memref_squeeze %dma_start3A_51 : memref<1x32x1x1x512xf32, #tpu.memory_space<vmem>> -> memref<32x1x1x512xf32, #tpu.memory_space<vmem>>
    %dma_start3A_53 = arith.constant 64 : i32
    %dma_start3A_54 = tpu.memref_slice %arg6[%dma_start3A_53] : memref<512xi32, #tpu.memory_space<vmem>> -> memref<32xi32, #tpu.memory_space<vmem>>
    %dma_start3A_55 = arith.constant 0 : i32
    %dma_start3A_56 = arith.constant 0 : i32
    %dma_start3A_57 = arith.constant 0 : i32
    %dma_start3A_58 = arith.constant 0 : i32
    %dma_start3A_59 = tpu.memref_slice %arg5[%dma_start3A_55, %dma_start3A_56, %dma_start3A_57, %dma_start3A_58] : memref<1000x1x1x512xf32, #tpu.memory_space<vmem_shared>> -> memref<1000x1x1x512xf32, #tpu.memory_space<vmem_shared>>
    %dma_start3A_60 = tpu.memref_slice %arg8[%dma_start3A_46] : memref<4x!tpu.dma_semaphore, #tpu.memory_space<semaphore_mem>> -> memref<1x!tpu.dma_semaphore, #tpu.memory_space<semaphore_mem>>
    %dma_start3A_61 = tpu.memref_squeeze %dma_start3A_60 : memref<1x!tpu.dma_semaphore, #tpu.memory_space<semaphore_mem>> -> memref<!tpu.dma_semaphore, #tpu.memory_space<semaphore_mem>>
    tpu.enqueue_indirect_dma source(%dma_start3A_59 : memref<1000x1x1x512xf32, #tpu.memory_space<vmem_shared>>) target(%dma_start3A_52 : memref<32x1x1x512xf32, #tpu.memory_space<vmem>>) offsets(%dma_start3A_54 : memref<32xi32, #tpu.memory_space<vmem>>) semaphore(%dma_start3A_61 : memref<!tpu.dma_semaphore, #tpu.memory_space<semaphore_mem>>)
    %dma_start3A_62 = arith.constant 3 : i32
    %dma_start3A_63 = arith.constant 3 : i32
    %dma_start3A_64 = arith.constant 0 : i32
    %dma_start3A_65 = arith.constant 0 : i32
    %dma_start3A_66 = arith.constant 0 : i32
    %dma_start3A_67 = arith.constant 0 : i32
    %dma_start3A_68 = tpu.memref_slice %arg7[%dma_start3A_62, %dma_start3A_64, %dma_start3A_65, %dma_start3A_66, %dma_start3A_67] : memref<4x32x1x1x512xf32, #tpu.memory_space<vmem>> -> memref<1x32x1x1x512xf32, #tpu.memory_space<vmem>>
    %dma_start3A_69 = tpu.memref_squeeze %dma_start3A_68 : memref<1x32x1x1x512xf32, #tpu.memory_space<vmem>> -> memref<32x1x1x512xf32, #tpu.memory_space<vmem>>
    %dma_start3A_70 = arith.constant 96 : i32
    %dma_start3A_71 = tpu.memref_slice %arg6[%dma_start3A_70] : memref<512xi32, #tpu.memory_space<vmem>> -> memref<32xi32, #tpu.memory_space<vmem>>
    %dma_start3A_72 = arith.constant 0 : i32
    %dma_start3A_73 = arith.constant 0 : i32
    %dma_start3A_74 = arith.constant 0 : i32
    %dma_start3A_75 = arith.constant 0 : i32
    %dma_start3A_76 = tpu.memref_slice %arg5[%dma_start3A_72, %dma_start3A_73, %dma_start3A_74, %dma_start3A_75] : memref<1000x1x1x512xf32, #tpu.memory_space<vmem_shared>> -> memref<1000x1x1x512xf32, #tpu.memory_space<vmem_shared>>
    %dma_start3A_77 = tpu.memref_slice %arg8[%dma_start3A_63] : memref<4x!tpu.dma_semaphore, #tpu.memory_space<semaphore_mem>> -> memref<1x!tpu.dma_semaphore, #tpu.memory_space<semaphore_mem>>
    %dma_start3A_78 = tpu.memref_squeeze %dma_start3A_77 : memref<1x!tpu.dma_semaphore, #tpu.memory_space<semaphore_mem>> -> memref<!tpu.dma_semaphore, #tpu.memory_space<semaphore_mem>>
    tpu.enqueue_indirect_dma source(%dma_start3A_76 : memref<1000x1x1x512xf32, #tpu.memory_space<vmem_shared>>) target(%dma_start3A_69 : memref<32x1x1x512xf32, #tpu.memory_space<vmem>>) offsets(%dma_start3A_71 : memref<32xi32, #tpu.memory_space<vmem>>) semaphore(%dma_start3A_78 : memref<!tpu.dma_semaphore, #tpu.memory_space<semaphore_mem>>)
    %scan3A = arith.constant 0 : i32
    %scan3A_79 = arith.constant 4 : i32
    %scan3A_80 = arith.addi %scan3A, %scan3A_79 : i32
    %scan3A_81 = arith.constant 1 : i32
    scf.for %scan3A_83 = %scan3A to %scan3A_80 step %scan3A_81  : i32 {
      %mul3A_84 = arith.constant 4 : i32
      %mul3A_85 = arith.muli %scan3A_83, %mul3A_84 : i32
      %add3A_86 = arith.constant 0 : i32
      %add3A_87 = arith.addi %mul3A_85, %add3A_86 : i32
      %mul3A_88 = arith.constant 32 : i32
      %mul3A_89 = arith.muli %add3A_87, %mul3A_88 : i32
      %add3A_90 = arith.addi %mul3A_2, %mul3A_89 : i32
      %mul3A_91 = arith.constant 32 : i32
      %mul3A_92 = arith.muli %add3A_87, %mul3A_91 : i32
      %dma_wait3A_93 = arith.constant 0 : i32
      %dma_wait3A_94 = arith.constant 0 : i32
      %dma_wait3A_95 = arith.constant 0 : i32
      %dma_wait3A_96 = arith.constant 0 : i32
      %dma_wait3A_97 = arith.constant 0 : i32
      %dma_wait3A_98 = arith.constant 0 : i32
      %dma_wait3A_99 = tpu.memref_slice %arg7[%dma_wait3A_93, %dma_wait3A_95, %dma_wait3A_96, %dma_wait3A_97, %dma_wait3A_98] : memref<4x32x1x1x512xf32, #tpu.memory_space<vmem>> -> memref<1x32x1x1x512xf32, #tpu.memory_space<vmem>>
      %dma_wait3A_100 = tpu.memref_squeeze %dma_wait3A_99 : memref<1x32x1x1x512xf32, #tpu.memory_space<vmem>> -> memref<32x1x1x512xf32, #tpu.memory_space<vmem>>
      %dma_wait3A_101 = tpu.memref_slice %arg6[%mul3A_92] : memref<512xi32, #tpu.memory_space<vmem>> -> memref<32xi32, #tpu.memory_space<vmem>>
      %dma_wait3A_102 = arith.constant 0 : i32
      %dma_wait3A_103 = arith.constant 0 : i32
      %dma_wait3A_104 = arith.constant 0 : i32
      %dma_wait3A_105 = arith.constant 0 : i32
      %dma_wait3A_106 = tpu.memref_slice %arg5[%dma_wait3A_102, %dma_wait3A_103, %dma_wait3A_104, %dma_wait3A_105] : memref<1000x1x1x512xf32, #tpu.memory_space<vmem_shared>> -> memref<1000x1x1x512xf32, #tpu.memory_space<vmem_shared>>
      %dma_wait3A_107 = tpu.memref_slice %arg8[%dma_wait3A_94] : memref<4x!tpu.dma_semaphore, #tpu.memory_space<semaphore_mem>> -> memref<1x!tpu.dma_semaphore, #tpu.memory_space<semaphore_mem>>
      %dma_wait3A_108 = tpu.memref_squeeze %dma_wait3A_107 : memref<1x!tpu.dma_semaphore, #tpu.memory_space<semaphore_mem>> -> memref<!tpu.dma_semaphore, #tpu.memory_space<semaphore_mem>>
      tpu.wait_indirect_dma semaphore(%dma_wait3A_108 : memref<!tpu.dma_semaphore, #tpu.memory_space<semaphore_mem>>) src(%dma_wait3A_106 : memref<1000x1x1x512xf32, #tpu.memory_space<vmem_shared>>) dst(%dma_wait3A_100 : memref<32x1x1x512xf32, #tpu.memory_space<vmem>>)
      %dma_start3A_109 = arith.constant 0 : i32
      %dma_start3A_110 = arith.constant 0 : i32
      %dma_start3A_111 = arith.constant 0 : i32
      %dma_start3A_112 = arith.constant 0 : i32
      %dma_start3A_113 = arith.constant 0 : i32
      %dma_start3A_114 = arith.constant 0 : i32
      %dma_start3A_115 = tpu.memref_slice %arg7[%dma_start3A_109, %dma_start3A_111, %dma_start3A_112, %dma_start3A_113, %dma_start3A_114] : memref<4x32x1x1x512xf32, #tpu.memory_space<vmem>> -> memref<1x32x1x1x512xf32, #tpu.memory_space<vmem>>
      %dma_start3A_116 = tpu.memref_squeeze %dma_start3A_115 : memref<1x32x1x1x512xf32, #tpu.memory_space<vmem>> -> memref<32x1x1x512xf32, #tpu.memory_space<vmem>>
      %dma_start3A_117 = arith.constant 0 : i32
      %dma_start3A_118 = arith.constant 0 : i32
      %dma_start3A_119 = arith.constant 0 : i32
      %dma_start3A_120 = tpu.memref_slice %arg4[%add3A_90, %dma_start3A_117, %dma_start3A_118, %dma_start3A_119] : memref<16384x1x1x512xf32, #tpu.memory_space<hbm>> -> memref<32x1x1x512xf32, #tpu.memory_space<hbm>>
      %dma_start3A_121 = tpu.memref_slice %arg9[%dma_start3A_110] : memref<4x!tpu.dma_semaphore, #tpu.memory_space<semaphore_mem>> -> memref<1x!tpu.dma_semaphore, #tpu.memory_space<semaphore_mem>>
      %dma_start3A_122 = tpu.memref_squeeze %dma_start3A_121 : memref<1x!tpu.dma_semaphore, #tpu.memory_space<semaphore_mem>> -> memref<!tpu.dma_semaphore, #tpu.memory_space<semaphore_mem>>
      %dma_start3A_123 = arith.constant 0 : i32
      %dma_start3A_124 = arith.constant 0 : i32
      %dma_start3A_125 = arith.constant 0 : i32
      %dma_start3A_126 = tpu.memref_slice %arg4[%add3A_90, %dma_start3A_123, %dma_start3A_124, %dma_start3A_125] : memref<16384x1x1x512xf32, #tpu.memory_space<hbm>> -> memref<32x1x1x512xf32, #tpu.memory_space<hbm>>
      %dma_start3A_127 = arith.constant 0 : i32
      %dma_start3A_128 = arith.constant 0 : i32
      %dma_start3A_129 = arith.constant 0 : i32
      %dma_start3A_130 = arith.constant 0 : i32
      %dma_start3A_131 = tpu.memref_slice %arg7[%dma_start3A_109, %dma_start3A_127, %dma_start3A_128, %dma_start3A_129, %dma_start3A_130] : memref<4x32x1x1x512xf32, #tpu.memory_space<vmem>> -> memref<1x32x1x1x512xf32, #tpu.memory_space<vmem>>
      %dma_start3A_132 = tpu.memref_squeeze %dma_start3A_131 : memref<1x32x1x1x512xf32, #tpu.memory_space<vmem>> -> memref<32x1x1x512xf32, #tpu.memory_space<vmem>>
      tpu.enqueue_dma source(%dma_start3A_132 : memref<32x1x1x512xf32, #tpu.memory_space<vmem>>) target(%dma_start3A_126 : memref<32x1x1x512xf32, #tpu.memory_space<hbm>>) target_semaphore(%dma_start3A_122 : memref<!tpu.dma_semaphore, #tpu.memory_space<semaphore_mem>>)
      %mul3A_133 = arith.constant 4 : i32
      %mul3A_134 = arith.muli %scan3A_83, %mul3A_133 : i32
      %add3A_135 = arith.constant 1 : i32
      %add3A_136 = arith.addi %mul3A_134, %add3A_135 : i32
      %mul3A_137 = arith.constant 32 : i32
      %mul3A_138 = arith.muli %add3A_136, %mul3A_137 : i32
      %add3A_139 = arith.addi %mul3A_2, %mul3A_138 : i32
      %mul3A_140 = arith.constant 32 : i32
      %mul3A_141 = arith.muli %add3A_136, %mul3A_140 : i32
      %dma_wait3A_142 = arith.constant 1 : i32
      %dma_wait3A_143 = arith.constant 1 : i32
      %dma_wait3A_144 = arith.constant 0 : i32
      %dma_wait3A_145 = arith.constant 0 : i32
      %dma_wait3A_146 = arith.constant 0 : i32
      %dma_wait3A_147 = arith.constant 0 : i32
      %dma_wait3A_148 = tpu.memref_slice %arg7[%dma_wait3A_142, %dma_wait3A_144, %dma_wait3A_145, %dma_wait3A_146, %dma_wait3A_147] : memref<4x32x1x1x512xf32, #tpu.memory_space<vmem>> -> memref<1x32x1x1x512xf32, #tpu.memory_space<vmem>>
      %dma_wait3A_149 = tpu.memref_squeeze %dma_wait3A_148 : memref<1x32x1x1x512xf32, #tpu.memory_space<vmem>> -> memref<32x1x1x512xf32, #tpu.memory_space<vmem>>
      %dma_wait3A_150 = tpu.memref_slice %arg6[%mul3A_141] : memref<512xi32, #tpu.memory_space<vmem>> -> memref<32xi32, #tpu.memory_space<vmem>>
      %dma_wait3A_151 = arith.constant 0 : i32
      %dma_wait3A_152 = arith.constant 0 : i32
      %dma_wait3A_153 = arith.constant 0 : i32
      %dma_wait3A_154 = arith.constant 0 : i32
      %dma_wait3A_155 = tpu.memref_slice %arg5[%dma_wait3A_151, %dma_wait3A_152, %dma_wait3A_153, %dma_wait3A_154] : memref<1000x1x1x512xf32, #tpu.memory_space<vmem_shared>> -> memref<1000x1x1x512xf32, #tpu.memory_space<vmem_shared>>
      %dma_wait3A_156 = tpu.memref_slice %arg8[%dma_wait3A_143] : memref<4x!tpu.dma_semaphore, #tpu.memory_space<semaphore_mem>> -> memref<1x!tpu.dma_semaphore, #tpu.memory_space<semaphore_mem>>
      %dma_wait3A_157 = tpu.memref_squeeze %dma_wait3A_156 : memref<1x!tpu.dma_semaphore, #tpu.memory_space<semaphore_mem>> -> memref<!tpu.dma_semaphore, #tpu.memory_space<semaphore_mem>>
      tpu.wait_indirect_dma semaphore(%dma_wait3A_157 : memref<!tpu.dma_semaphore, #tpu.memory_space<semaphore_mem>>) src(%dma_wait3A_155 : memref<1000x1x1x512xf32, #tpu.memory_space<vmem_shared>>) dst(%dma_wait3A_149 : memref<32x1x1x512xf32, #tpu.memory_space<vmem>>)
      %dma_start3A_158 = arith.constant 1 : i32
      %dma_start3A_159 = arith.constant 1 : i32
      %dma_start3A_160 = arith.constant 0 : i32
      %dma_start3A_161 = arith.constant 0 : i32
      %dma_start3A_162 = arith.constant 0 : i32
      %dma_start3A_163 = arith.constant 0 : i32
      %dma_start3A_164 = tpu.memref_slice %arg7[%dma_start3A_158, %dma_start3A_160, %dma_start3A_161, %dma_start3A_162, %dma_start3A_163] : memref<4x32x1x1x512xf32, #tpu.memory_space<vmem>> -> memref<1x32x1x1x512xf32, #tpu.memory_space<vmem>>
      %dma_start3A_165 = tpu.memref_squeeze %dma_start3A_164 : memref<1x32x1x1x512xf32, #tpu.memory_space<vmem>> -> memref<32x1x1x512xf32, #tpu.memory_space<vmem>>
      %dma_start3A_166 = arith.constant 0 : i32
      %dma_start3A_167 = arith.constant 0 : i32
      %dma_start3A_168 = arith.constant 0 : i32
      %dma_start3A_169 = tpu.memref_slice %arg4[%add3A_139, %dma_start3A_166, %dma_start3A_167, %dma_start3A_168] : memref<16384x1x1x512xf32, #tpu.memory_space<hbm>> -> memref<32x1x1x512xf32, #tpu.memory_space<hbm>>
      %dma_start3A_170 = tpu.memref_slice %arg9[%dma_start3A_159] : memref<4x!tpu.dma_semaphore, #tpu.memory_space<semaphore_mem>> -> memref<1x!tpu.dma_semaphore, #tpu.memory_space<semaphore_mem>>
      %dma_start3A_171 = tpu.memref_squeeze %dma_start3A_170 : memref<1x!tpu.dma_semaphore, #tpu.memory_space<semaphore_mem>> -> memref<!tpu.dma_semaphore, #tpu.memory_space<semaphore_mem>>
      %dma_start3A_172 = arith.constant 0 : i32
      %dma_start3A_173 = arith.constant 0 : i32
      %dma_start3A_174 = arith.constant 0 : i32
      %dma_start3A_175 = tpu.memref_slice %arg4[%add3A_139, %dma_start3A_172, %dma_start3A_173, %dma_start3A_174] : memref<16384x1x1x512xf32, #tpu.memory_space<hbm>> -> memref<32x1x1x512xf32, #tpu.memory_space<hbm>>
      %dma_start3A_176 = arith.constant 0 : i32
      %dma_start3A_177 = arith.constant 0 : i32
      %dma_start3A_178 = arith.constant 0 : i32
      %dma_start3A_179 = arith.constant 0 : i32
      %dma_start3A_180 = tpu.memref_slice %arg7[%dma_start3A_158, %dma_start3A_176, %dma_start3A_177, %dma_start3A_178, %dma_start3A_179] : memref<4x32x1x1x512xf32, #tpu.memory_space<vmem>> -> memref<1x32x1x1x512xf32, #tpu.memory_space<vmem>>
      %dma_start3A_181 = tpu.memref_squeeze %dma_start3A_180 : memref<1x32x1x1x512xf32, #tpu.memory_space<vmem>> -> memref<32x1x1x512xf32, #tpu.memory_space<vmem>>
      tpu.enqueue_dma source(%dma_start3A_181 : memref<32x1x1x512xf32, #tpu.memory_space<vmem>>) target(%dma_start3A_175 : memref<32x1x1x512xf32, #tpu.memory_space<hbm>>) target_semaphore(%dma_start3A_171 : memref<!tpu.dma_semaphore, #tpu.memory_space<semaphore_mem>>)
      %mul3A_182 = arith.constant 4 : i32
      %mul3A_183 = arith.muli %scan3A_83, %mul3A_182 : i32
      %add3A_184 = arith.constant 2 : i32
      %add3A_185 = arith.addi %mul3A_183, %add3A_184 : i32
      %mul3A_186 = arith.constant 32 : i32
      %mul3A_187 = arith.muli %add3A_185, %mul3A_186 : i32
      %add3A_188 = arith.addi %mul3A_2, %mul3A_187 : i32
      %mul3A_189 = arith.constant 32 : i32
      %mul3A_190 = arith.muli %add3A_185, %mul3A_189 : i32
      %dma_wait3A_191 = arith.constant 2 : i32
      %dma_wait3A_192 = arith.constant 2 : i32
      %dma_wait3A_193 = arith.constant 0 : i32
      %dma_wait3A_194 = arith.constant 0 : i32
      %dma_wait3A_195 = arith.constant 0 : i32
      %dma_wait3A_196 = arith.constant 0 : i32
      %dma_wait3A_197 = tpu.memref_slice %arg7[%dma_wait3A_191, %dma_wait3A_193, %dma_wait3A_194, %dma_wait3A_195, %dma_wait3A_196] : memref<4x32x1x1x512xf32, #tpu.memory_space<vmem>> -> memref<1x32x1x1x512xf32, #tpu.memory_space<vmem>>
      %dma_wait3A_198 = tpu.memref_squeeze %dma_wait3A_197 : memref<1x32x1x1x512xf32, #tpu.memory_space<vmem>> -> memref<32x1x1x512xf32, #tpu.memory_space<vmem>>
      %dma_wait3A_199 = tpu.memref_slice %arg6[%mul3A_190] : memref<512xi32, #tpu.memory_space<vmem>> -> memref<32xi32, #tpu.memory_space<vmem>>
      %dma_wait3A_200 = arith.constant 0 : i32
      %dma_wait3A_201 = arith.constant 0 : i32
      %dma_wait3A_202 = arith.constant 0 : i32
      %dma_wait3A_203 = arith.constant 0 : i32
      %dma_wait3A_204 = tpu.memref_slice %arg5[%dma_wait3A_200, %dma_wait3A_201, %dma_wait3A_202, %dma_wait3A_203] : memref<1000x1x1x512xf32, #tpu.memory_space<vmem_shared>> -> memref<1000x1x1x512xf32, #tpu.memory_space<vmem_shared>>
      %dma_wait3A_205 = tpu.memref_slice %arg8[%dma_wait3A_192] : memref<4x!tpu.dma_semaphore, #tpu.memory_space<semaphore_mem>> -> memref<1x!tpu.dma_semaphore, #tpu.memory_space<semaphore_mem>>
      %dma_wait3A_206 = tpu.memref_squeeze %dma_wait3A_205 : memref<1x!tpu.dma_semaphore, #tpu.memory_space<semaphore_mem>> -> memref<!tpu.dma_semaphore, #tpu.memory_space<semaphore_mem>>
      tpu.wait_indirect_dma semaphore(%dma_wait3A_206 : memref<!tpu.dma_semaphore, #tpu.memory_space<semaphore_mem>>) src(%dma_wait3A_204 : memref<1000x1x1x512xf32, #tpu.memory_space<vmem_shared>>) dst(%dma_wait3A_198 : memref<32x1x1x512xf32, #tpu.memory_space<vmem>>)
      %dma_start3A_207 = arith.constant 2 : i32
      %dma_start3A_208 = arith.constant 2 : i32
      %dma_start3A_209 = arith.constant 0 : i32
      %dma_start3A_210 = arith.constant 0 : i32
      %dma_start3A_211 = arith.constant 0 : i32
      %dma_start3A_212 = arith.constant 0 : i32
      %dma_start3A_213 = tpu.memref_slice %arg7[%dma_start3A_207, %dma_start3A_209, %dma_start3A_210, %dma_start3A_211, %dma_start3A_212] : memref<4x32x1x1x512xf32, #tpu.memory_space<vmem>> -> memref<1x32x1x1x512xf32, #tpu.memory_space<vmem>>
      %dma_start3A_214 = tpu.memref_squeeze %dma_start3A_213 : memref<1x32x1x1x512xf32, #tpu.memory_space<vmem>> -> memref<32x1x1x512xf32, #tpu.memory_space<vmem>>
      %dma_start3A_215 = arith.constant 0 : i32
      %dma_start3A_216 = arith.constant 0 : i32
      %dma_start3A_217 = arith.constant 0 : i32
      %dma_start3A_218 = tpu.memref_slice %arg4[%add3A_188, %dma_start3A_215, %dma_start3A_216, %dma_start3A_217] : memref<16384x1x1x512xf32, #tpu.memory_space<hbm>> -> memref<32x1x1x512xf32, #tpu.memory_space<hbm>>
      %dma_start3A_219 = tpu.memref_slice %arg9[%dma_start3A_208] : memref<4x!tpu.dma_semaphore, #tpu.memory_space<semaphore_mem>> -> memref<1x!tpu.dma_semaphore, #tpu.memory_space<semaphore_mem>>
      %dma_start3A_220 = tpu.memref_squeeze %dma_start3A_219 : memref<1x!tpu.dma_semaphore, #tpu.memory_space<semaphore_mem>> -> memref<!tpu.dma_semaphore, #tpu.memory_space<semaphore_mem>>
      %dma_start3A_221 = arith.constant 0 : i32
      %dma_start3A_222 = arith.constant 0 : i32
      %dma_start3A_223 = arith.constant 0 : i32
      %dma_start3A_224 = tpu.memref_slice %arg4[%add3A_188, %dma_start3A_221, %dma_start3A_222, %dma_start3A_223] : memref<16384x1x1x512xf32, #tpu.memory_space<hbm>> -> memref<32x1x1x512xf32, #tpu.memory_space<hbm>>
      %dma_start3A_225 = arith.constant 0 : i32
      %dma_start3A_226 = arith.constant 0 : i32
      %dma_start3A_227 = arith.constant 0 : i32
      %dma_start3A_228 = arith.constant 0 : i32
      %dma_start3A_229 = tpu.memref_slice %arg7[%dma_start3A_207, %dma_start3A_225, %dma_start3A_226, %dma_start3A_227, %dma_start3A_228] : memref<4x32x1x1x512xf32, #tpu.memory_space<vmem>> -> memref<1x32x1x1x512xf32, #tpu.memory_space<vmem>>
      %dma_start3A_230 = tpu.memref_squeeze %dma_start3A_229 : memref<1x32x1x1x512xf32, #tpu.memory_space<vmem>> -> memref<32x1x1x512xf32, #tpu.memory_space<vmem>>
      tpu.enqueue_dma source(%dma_start3A_230 : memref<32x1x1x512xf32, #tpu.memory_space<vmem>>) target(%dma_start3A_224 : memref<32x1x1x512xf32, #tpu.memory_space<hbm>>) target_semaphore(%dma_start3A_220 : memref<!tpu.dma_semaphore, #tpu.memory_space<semaphore_mem>>)
      %mul3A_231 = arith.constant 4 : i32
      %mul3A_232 = arith.muli %scan3A_83, %mul3A_231 : i32
      %add3A_233 = arith.constant 3 : i32
      %add3A_234 = arith.addi %mul3A_232, %add3A_233 : i32
      %mul3A_235 = arith.constant 32 : i32
      %mul3A_236 = arith.muli %add3A_234, %mul3A_235 : i32
      %add3A_237 = arith.addi %mul3A_2, %mul3A_236 : i32
      %mul3A_238 = arith.constant 32 : i32
      %mul3A_239 = arith.muli %add3A_234, %mul3A_238 : i32
      %dma_wait3A_240 = arith.constant 3 : i32
      %dma_wait3A_241 = arith.constant 3 : i32
      %dma_wait3A_242 = arith.constant 0 : i32
      %dma_wait3A_243 = arith.constant 0 : i32
      %dma_wait3A_244 = arith.constant 0 : i32
      %dma_wait3A_245 = arith.constant 0 : i32
      %dma_wait3A_246 = tpu.memref_slice %arg7[%dma_wait3A_240, %dma_wait3A_242, %dma_wait3A_243, %dma_wait3A_244, %dma_wait3A_245] : memref<4x32x1x1x512xf32, #tpu.memory_space<vmem>> -> memref<1x32x1x1x512xf32, #tpu.memory_space<vmem>>
      %dma_wait3A_247 = tpu.memref_squeeze %dma_wait3A_246 : memref<1x32x1x1x512xf32, #tpu.memory_space<vmem>> -> memref<32x1x1x512xf32, #tpu.memory_space<vmem>>
      %dma_wait3A_248 = tpu.memref_slice %arg6[%mul3A_239] : memref<512xi32, #tpu.memory_space<vmem>> -> memref<32xi32, #tpu.memory_space<vmem>>
      %dma_wait3A_249 = arith.constant 0 : i32
      %dma_wait3A_250 = arith.constant 0 : i32
      %dma_wait3A_251 = arith.constant 0 : i32
      %dma_wait3A_252 = arith.constant 0 : i32
      %dma_wait3A_253 = tpu.memref_slice %arg5[%dma_wait3A_249, %dma_wait3A_250, %dma_wait3A_251, %dma_wait3A_252] : memref<1000x1x1x512xf32, #tpu.memory_space<vmem_shared>> -> memref<1000x1x1x512xf32, #tpu.memory_space<vmem_shared>>
      %dma_wait3A_254 = tpu.memref_slice %arg8[%dma_wait3A_241] : memref<4x!tpu.dma_semaphore, #tpu.memory_space<semaphore_mem>> -> memref<1x!tpu.dma_semaphore, #tpu.memory_space<semaphore_mem>>
      %dma_wait3A_255 = tpu.memref_squeeze %dma_wait3A_254 : memref<1x!tpu.dma_semaphore, #tpu.memory_space<semaphore_mem>> -> memref<!tpu.dma_semaphore, #tpu.memory_space<semaphore_mem>>
      tpu.wait_indirect_dma semaphore(%dma_wait3A_255 : memref<!tpu.dma_semaphore, #tpu.memory_space<semaphore_mem>>) src(%dma_wait3A_253 : memref<1000x1x1x512xf32, #tpu.memory_space<vmem_shared>>) dst(%dma_wait3A_247 : memref<32x1x1x512xf32, #tpu.memory_space<vmem>>)
      %dma_start3A_256 = arith.constant 3 : i32
      %dma_start3A_257 = arith.constant 3 : i32
      %dma_start3A_258 = arith.constant 0 : i32
      %dma_start3A_259 = arith.constant 0 : i32
      %dma_start3A_260 = arith.constant 0 : i32
      %dma_start3A_261 = arith.constant 0 : i32
      %dma_start3A_262 = tpu.memref_slice %arg7[%dma_start3A_256, %dma_start3A_258, %dma_start3A_259, %dma_start3A_260, %dma_start3A_261] : memref<4x32x1x1x512xf32, #tpu.memory_space<vmem>> -> memref<1x32x1x1x512xf32, #tpu.memory_space<vmem>>
      %dma_start3A_263 = tpu.memref_squeeze %dma_start3A_262 : memref<1x32x1x1x512xf32, #tpu.memory_space<vmem>> -> memref<32x1x1x512xf32, #tpu.memory_space<vmem>>
      %dma_start3A_264 = arith.constant 0 : i32
      %dma_start3A_265 = arith.constant 0 : i32
      %dma_start3A_266 = arith.constant 0 : i32
      %dma_start3A_267 = tpu.memref_slice %arg4[%add3A_237, %dma_start3A_264, %dma_start3A_265, %dma_start3A_266] : memref<16384x1x1x512xf32, #tpu.memory_space<hbm>> -> memref<32x1x1x512xf32, #tpu.memory_space<hbm>>
      %dma_start3A_268 = tpu.memref_slice %arg9[%dma_start3A_257] : memref<4x!tpu.dma_semaphore, #tpu.memory_space<semaphore_mem>> -> memref<1x!tpu.dma_semaphore, #tpu.memory_space<semaphore_mem>>
      %dma_start3A_269 = tpu.memref_squeeze %dma_start3A_268 : memref<1x!tpu.dma_semaphore, #tpu.memory_space<semaphore_mem>> -> memref<!tpu.dma_semaphore, #tpu.memory_space<semaphore_mem>>
      %dma_start3A_270 = arith.constant 0 : i32
      %dma_start3A_271 = arith.constant 0 : i32
      %dma_start3A_272 = arith.constant 0 : i32
      %dma_start3A_273 = tpu.memref_slice %arg4[%add3A_237, %dma_start3A_270, %dma_start3A_271, %dma_start3A_272] : memref<16384x1x1x512xf32, #tpu.memory_space<hbm>> -> memref<32x1x1x512xf32, #tpu.memory_space<hbm>>
      %dma_start3A_274 = arith.constant 0 : i32
      %dma_start3A_275 = arith.constant 0 : i32
      %dma_start3A_276 = arith.constant 0 : i32
      %dma_start3A_277 = arith.constant 0 : i32
      %dma_start3A_278 = tpu.memref_slice %arg7[%dma_start3A_256, %dma_start3A_274, %dma_start3A_275, %dma_start3A_276, %dma_start3A_277] : memref<4x32x1x1x512xf32, #tpu.memory_space<vmem>> -> memref<1x32x1x1x512xf32, #tpu.memory_space<vmem>>
      %dma_start3A_279 = tpu.memref_squeeze %dma_start3A_278 : memref<1x32x1x1x512xf32, #tpu.memory_space<vmem>> -> memref<32x1x1x512xf32, #tpu.memory_space<vmem>>
      tpu.enqueue_dma source(%dma_start3A_279 : memref<32x1x1x512xf32, #tpu.memory_space<vmem>>) target(%dma_start3A_273 : memref<32x1x1x512xf32, #tpu.memory_space<hbm>>) target_semaphore(%dma_start3A_269 : memref<!tpu.dma_semaphore, #tpu.memory_space<semaphore_mem>>)
      %mul3A_280 = arith.constant 4 : i32
      %mul3A_281 = arith.muli %scan3A_83, %mul3A_280 : i32
      %add3A_282 = arith.constant 0 : i32
      %add3A_283 = arith.addi %mul3A_281, %add3A_282 : i32
      %mul3A_284 = arith.constant 32 : i32
      %mul3A_285 = arith.muli %add3A_283, %mul3A_284 : i32
      %add3A_286 = arith.addi %mul3A_2, %mul3A_285 : i32
      %dma_wait3A_287 = arith.constant 0 : i32
      %dma_wait3A_288 = arith.constant 0 : i32
      %dma_wait3A_289 = arith.constant 0 : i32
      %dma_wait3A_290 = arith.constant 0 : i32
      %dma_wait3A_291 = arith.constant 0 : i32
      %dma_wait3A_292 = arith.constant 0 : i32
      %dma_wait3A_293 = tpu.memref_slice %arg7[%dma_wait3A_287, %dma_wait3A_289, %dma_wait3A_290, %dma_wait3A_291, %dma_wait3A_292] : memref<4x32x1x1x512xf32, #tpu.memory_space<vmem>> -> memref<1x32x1x1x512xf32, #tpu.memory_space<vmem>>
      %dma_wait3A_294 = tpu.memref_squeeze %dma_wait3A_293 : memref<1x32x1x1x512xf32, #tpu.memory_space<vmem>> -> memref<32x1x1x512xf32, #tpu.memory_space<vmem>>
      %dma_wait3A_295 = arith.constant 0 : i32
      %dma_wait3A_296 = arith.constant 0 : i32
      %dma_wait3A_297 = arith.constant 0 : i32
      %dma_wait3A_298 = tpu.memref_slice %arg4[%add3A_286, %dma_wait3A_295, %dma_wait3A_296, %dma_wait3A_297] : memref<16384x1x1x512xf32, #tpu.memory_space<hbm>> -> memref<32x1x1x512xf32, #tpu.memory_space<hbm>>
      %dma_wait3A_299 = tpu.memref_slice %arg9[%dma_wait3A_288] : memref<4x!tpu.dma_semaphore, #tpu.memory_space<semaphore_mem>> -> memref<1x!tpu.dma_semaphore, #tpu.memory_space<semaphore_mem>>
      %dma_wait3A_300 = tpu.memref_squeeze %dma_wait3A_299 : memref<1x!tpu.dma_semaphore, #tpu.memory_space<semaphore_mem>> -> memref<!tpu.dma_semaphore, #tpu.memory_space<semaphore_mem>>
      %dma_wait3A_301 = arith.constant 0 : i32
      %dma_wait3A_302 = arith.constant 0 : i32
      %dma_wait3A_303 = arith.constant 0 : i32
      %dma_wait3A_304 = tpu.memref_slice %arg4[%add3A_286, %dma_wait3A_301, %dma_wait3A_302, %dma_wait3A_303] : memref<16384x1x1x512xf32, #tpu.memory_space<hbm>> -> memref<32x1x1x512xf32, #tpu.memory_space<hbm>>
      %dma_wait3A_305 = arith.constant 0 : i32
      %dma_wait3A_306 = arith.constant 0 : i32
      %dma_wait3A_307 = arith.constant 0 : i32
      %dma_wait3A_308 = arith.constant 0 : i32
      %dma_wait3A_309 = tpu.memref_slice %arg7[%dma_wait3A_287, %dma_wait3A_305, %dma_wait3A_306, %dma_wait3A_307, %dma_wait3A_308] : memref<4x32x1x1x512xf32, #tpu.memory_space<vmem>> -> memref<1x32x1x1x512xf32, #tpu.memory_space<vmem>>
      %dma_wait3A_310 = tpu.memref_squeeze %dma_wait3A_309 : memref<1x32x1x1x512xf32, #tpu.memory_space<vmem>> -> memref<32x1x1x512xf32, #tpu.memory_space<vmem>>
      tpu.wait_dma2 semaphore(%dma_wait3A_300 : memref<!tpu.dma_semaphore, #tpu.memory_space<semaphore_mem>>) src(%dma_wait3A_310 : memref<32x1x1x512xf32, #tpu.memory_space<vmem>>) dst(%dma_wait3A_304 : memref<32x1x1x512xf32, #tpu.memory_space<hbm>>)
      %lt3A_311 = arith.constant 3 : i32
      %lt3A_312 = arith.cmpi slt, %scan3A_83, %lt3A_311 : i32
      %convert_element_type3A_313 = arith.extui %lt3A_312 : i1 to i32
      %cond3A_314 = arith.constant 0 : i32
      %cond3A_315 = arith.cmpi ne, %convert_element_type3A_313, %cond3A_314 : i32
      scf.if %cond3A_315 {
        %add3A_424 = arith.constant 4 : i32
        %add3A_425 = arith.addi %add3A_283, %add3A_424 : i32
        %mul3A_426 = arith.constant 32 : i32
        %mul3A_427 = arith.muli %add3A_425, %mul3A_426 : i32
        %dma_start3A_428 = arith.constant 0 : i32
        %dma_start3A_429 = arith.constant 0 : i32
        %dma_start3A_430 = arith.constant 0 : i32
        %dma_start3A_431 = arith.constant 0 : i32
        %dma_start3A_432 = arith.constant 0 : i32
        %dma_start3A_433 = arith.constant 0 : i32
        %dma_start3A_434 = tpu.memref_slice %arg7[%dma_start3A_428, %dma_start3A_430, %dma_start3A_431, %dma_start3A_432, %dma_start3A_433] : memref<4x32x1x1x512xf32, #tpu.memory_space<vmem>> -> memref<1x32x1x1x512xf32, #tpu.memory_space<vmem>>
        %dma_start3A_435 = tpu.memref_squeeze %dma_start3A_434 : memref<1x32x1x1x512xf32, #tpu.memory_space<vmem>> -> memref<32x1x1x512xf32, #tpu.memory_space<vmem>>
        %dma_start3A_436 = tpu.memref_slice %arg6[%mul3A_427] : memref<512xi32, #tpu.memory_space<vmem>> -> memref<32xi32, #tpu.memory_space<vmem>>
        %dma_start3A_437 = arith.constant 0 : i32
        %dma_start3A_438 = arith.constant 0 : i32
        %dma_start3A_439 = arith.constant 0 : i32
        %dma_start3A_440 = arith.constant 0 : i32
        %dma_start3A_441 = tpu.memref_slice %arg5[%dma_start3A_437, %dma_start3A_438, %dma_start3A_439, %dma_start3A_440] : memref<1000x1x1x512xf32, #tpu.memory_space<vmem_shared>> -> memref<1000x1x1x512xf32, #tpu.memory_space<vmem_shared>>
        %dma_start3A_442 = tpu.memref_slice %arg8[%dma_start3A_429] : memref<4x!tpu.dma_semaphore, #tpu.memory_space<semaphore_mem>> -> memref<1x!tpu.dma_semaphore, #tpu.memory_space<semaphore_mem>>
        %dma_start3A_443 = tpu.memref_squeeze %dma_start3A_442 : memref<1x!tpu.dma_semaphore, #tpu.memory_space<semaphore_mem>> -> memref<!tpu.dma_semaphore, #tpu.memory_space<semaphore_mem>>
        tpu.enqueue_indirect_dma source(%dma_start3A_441 : memref<1000x1x1x512xf32, #tpu.memory_space<vmem_shared>>) target(%dma_start3A_435 : memref<32x1x1x512xf32, #tpu.memory_space<vmem>>) offsets(%dma_start3A_436 : memref<32xi32, #tpu.memory_space<vmem>>) semaphore(%dma_start3A_443 : memref<!tpu.dma_semaphore, #tpu.memory_space<semaphore_mem>>)
      } else {
      }
      %mul3A_316 = arith.constant 4 : i32
      %mul3A_317 = arith.muli %scan3A_83, %mul3A_316 : i32
      %add3A_318 = arith.constant 1 : i32
      %add3A_319 = arith.addi %mul3A_317, %add3A_318 : i32
      %mul3A_320 = arith.constant 32 : i32
      %mul3A_321 = arith.muli %add3A_319, %mul3A_320 : i32
      %add3A_322 = arith.addi %mul3A_2, %mul3A_321 : i32
      %dma_wait3A_323 = arith.constant 1 : i32
      %dma_wait3A_324 = arith.constant 1 : i32
      %dma_wait3A_325 = arith.constant 0 : i32
      %dma_wait3A_326 = arith.constant 0 : i32
      %dma_wait3A_327 = arith.constant 0 : i32
      %dma_wait3A_328 = arith.constant 0 : i32
      %dma_wait3A_329 = tpu.memref_slice %arg7[%dma_wait3A_323, %dma_wait3A_325, %dma_wait3A_326, %dma_wait3A_327, %dma_wait3A_328] : memref<4x32x1x1x512xf32, #tpu.memory_space<vmem>> -> memref<1x32x1x1x512xf32, #tpu.memory_space<vmem>>
      %dma_wait3A_330 = tpu.memref_squeeze %dma_wait3A_329 : memref<1x32x1x1x512xf32, #tpu.memory_space<vmem>> -> memref<32x1x1x512xf32, #tpu.memory_space<vmem>>
      %dma_wait3A_331 = arith.constant 0 : i32
      %dma_wait3A_332 = arith.constant 0 : i32
      %dma_wait3A_333 = arith.constant 0 : i32
      %dma_wait3A_334 = tpu.memref_slice %arg4[%add3A_322, %dma_wait3A_331, %dma_wait3A_332, %dma_wait3A_333] : memref<16384x1x1x512xf32, #tpu.memory_space<hbm>> -> memref<32x1x1x512xf32, #tpu.memory_space<hbm>>
      %dma_wait3A_335 = tpu.memref_slice %arg9[%dma_wait3A_324] : memref<4x!tpu.dma_semaphore, #tpu.memory_space<semaphore_mem>> -> memref<1x!tpu.dma_semaphore, #tpu.memory_space<semaphore_mem>>
      %dma_wait3A_336 = tpu.memref_squeeze %dma_wait3A_335 : memref<1x!tpu.dma_semaphore, #tpu.memory_space<semaphore_mem>> -> memref<!tpu.dma_semaphore, #tpu.memory_space<semaphore_mem>>
      %dma_wait3A_337 = arith.constant 0 : i32
      %dma_wait3A_338 = arith.constant 0 : i32
      %dma_wait3A_339 = arith.constant 0 : i32
      %dma_wait3A_340 = tpu.memref_slice %arg4[%add3A_322, %dma_wait3A_337, %dma_wait3A_338, %dma_wait3A_339] : memref<16384x1x1x512xf32, #tpu.memory_space<hbm>> -> memref<32x1x1x512xf32, #tpu.memory_space<hbm>>
      %dma_wait3A_341 = arith.constant 0 : i32
      %dma_wait3A_342 = arith.constant 0 : i32
      %dma_wait3A_343 = arith.constant 0 : i32
      %dma_wait3A_344 = arith.constant 0 : i32
      %dma_wait3A_345 = tpu.memref_slice %arg7[%dma_wait3A_323, %dma_wait3A_341, %dma_wait3A_342, %dma_wait3A_343, %dma_wait3A_344] : memref<4x32x1x1x512xf32, #tpu.memory_space<vmem>> -> memref<1x32x1x1x512xf32, #tpu.memory_space<vmem>>
      %dma_wait3A_346 = tpu.memref_squeeze %dma_wait3A_345 : memref<1x32x1x1x512xf32, #tpu.memory_space<vmem>> -> memref<32x1x1x512xf32, #tpu.memory_space<vmem>>
      tpu.wait_dma2 semaphore(%dma_wait3A_336 : memref<!tpu.dma_semaphore, #tpu.memory_space<semaphore_mem>>) src(%dma_wait3A_346 : memref<32x1x1x512xf32, #tpu.memory_space<vmem>>) dst(%dma_wait3A_340 : memref<32x1x1x512xf32, #tpu.memory_space<hbm>>)
      %lt3A_347 = arith.constant 3 : i32
      %lt3A_348 = arith.cmpi slt, %scan3A_83, %lt3A_347 : i32
      %convert_element_type3A_349 = arith.extui %lt3A_348 : i1 to i32
      %cond3A_350 = arith.constant 0 : i32
      %cond3A_351 = arith.cmpi ne, %convert_element_type3A_349, %cond3A_350 : i32
      scf.if %cond3A_351 {
        %add3A_424 = arith.constant 4 : i32
        %add3A_425 = arith.addi %add3A_319, %add3A_424 : i32
        %mul3A_426 = arith.constant 32 : i32
        %mul3A_427 = arith.muli %add3A_425, %mul3A_426 : i32
        %dma_start3A_428 = arith.constant 1 : i32
        %dma_start3A_429 = arith.constant 1 : i32
        %dma_start3A_430 = arith.constant 0 : i32
        %dma_start3A_431 = arith.constant 0 : i32
        %dma_start3A_432 = arith.constant 0 : i32
        %dma_start3A_433 = arith.constant 0 : i32
        %dma_start3A_434 = tpu.memref_slice %arg7[%dma_start3A_428, %dma_start3A_430, %dma_start3A_431, %dma_start3A_432, %dma_start3A_433] : memref<4x32x1x1x512xf32, #tpu.memory_space<vmem>> -> memref<1x32x1x1x512xf32, #tpu.memory_space<vmem>>
        %dma_start3A_435 = tpu.memref_squeeze %dma_start3A_434 : memref<1x32x1x1x512xf32, #tpu.memory_space<vmem>> -> memref<32x1x1x512xf32, #tpu.memory_space<vmem>>
        %dma_start3A_436 = tpu.memref_slice %arg6[%mul3A_427] : memref<512xi32, #tpu.memory_space<vmem>> -> memref<32xi32, #tpu.memory_space<vmem>>
        %dma_start3A_437 = arith.constant 0 : i32
        %dma_start3A_438 = arith.constant 0 : i32
        %dma_start3A_439 = arith.constant 0 : i32
        %dma_start3A_440 = arith.constant 0 : i32
        %dma_start3A_441 = tpu.memref_slice %arg5[%dma_start3A_437, %dma_start3A_438, %dma_start3A_439, %dma_start3A_440] : memref<1000x1x1x512xf32, #tpu.memory_space<vmem_shared>> -> memref<1000x1x1x512xf32, #tpu.memory_space<vmem_shared>>
        %dma_start3A_442 = tpu.memref_slice %arg8[%dma_start3A_429] : memref<4x!tpu.dma_semaphore, #tpu.memory_space<semaphore_mem>> -> memref<1x!tpu.dma_semaphore, #tpu.memory_space<semaphore_mem>>
        %dma_start3A_443 = tpu.memref_squeeze %dma_start3A_442 : memref<1x!tpu.dma_semaphore, #tpu.memory_space<semaphore_mem>> -> memref<!tpu.dma_semaphore, #tpu.memory_space<semaphore_mem>>
        tpu.enqueue_indirect_dma source(%dma_start3A_441 : memref<1000x1x1x512xf32, #tpu.memory_space<vmem_shared>>) target(%dma_start3A_435 : memref<32x1x1x512xf32, #tpu.memory_space<vmem>>) offsets(%dma_start3A_436 : memref<32xi32, #tpu.memory_space<vmem>>) semaphore(%dma_start3A_443 : memref<!tpu.dma_semaphore, #tpu.memory_space<semaphore_mem>>)
      } else {
      }
      %mul3A_352 = arith.constant 4 : i32
      %mul3A_353 = arith.muli %scan3A_83, %mul3A_352 : i32
      %add3A_354 = arith.constant 2 : i32
      %add3A_355 = arith.addi %mul3A_353, %add3A_354 : i32
      %mul3A_356 = arith.constant 32 : i32
      %mul3A_357 = arith.muli %add3A_355, %mul3A_356 : i32
      %add3A_358 = arith.addi %mul3A_2, %mul3A_357 : i32
      %dma_wait3A_359 = arith.constant 2 : i32
      %dma_wait3A_360 = arith.constant 2 : i32
      %dma_wait3A_361 = arith.constant 0 : i32
      %dma_wait3A_362 = arith.constant 0 : i32
      %dma_wait3A_363 = arith.constant 0 : i32
      %dma_wait3A_364 = arith.constant 0 : i32
      %dma_wait3A_365 = tpu.memref_slice %arg7[%dma_wait3A_359, %dma_wait3A_361, %dma_wait3A_362, %dma_wait3A_363, %dma_wait3A_364] : memref<4x32x1x1x512xf32, #tpu.memory_space<vmem>> -> memref<1x32x1x1x512xf32, #tpu.memory_space<vmem>>
      %dma_wait3A_366 = tpu.memref_squeeze %dma_wait3A_365 : memref<1x32x1x1x512xf32, #tpu.memory_space<vmem>> -> memref<32x1x1x512xf32, #tpu.memory_space<vmem>>
      %dma_wait3A_367 = arith.constant 0 : i32
      %dma_wait3A_368 = arith.constant 0 : i32
      %dma_wait3A_369 = arith.constant 0 : i32
      %dma_wait3A_370 = tpu.memref_slice %arg4[%add3A_358, %dma_wait3A_367, %dma_wait3A_368, %dma_wait3A_369] : memref<16384x1x1x512xf32, #tpu.memory_space<hbm>> -> memref<32x1x1x512xf32, #tpu.memory_space<hbm>>
      %dma_wait3A_371 = tpu.memref_slice %arg9[%dma_wait3A_360] : memref<4x!tpu.dma_semaphore, #tpu.memory_space<semaphore_mem>> -> memref<1x!tpu.dma_semaphore, #tpu.memory_space<semaphore_mem>>
      %dma_wait3A_372 = tpu.memref_squeeze %dma_wait3A_371 : memref<1x!tpu.dma_semaphore, #tpu.memory_space<semaphore_mem>> -> memref<!tpu.dma_semaphore, #tpu.memory_space<semaphore_mem>>
      %dma_wait3A_373 = arith.constant 0 : i32
      %dma_wait3A_374 = arith.constant 0 : i32
      %dma_wait3A_375 = arith.constant 0 : i32
      %dma_wait3A_376 = tpu.memref_slice %arg4[%add3A_358, %dma_wait3A_373, %dma_wait3A_374, %dma_wait3A_375] : memref<16384x1x1x512xf32, #tpu.memory_space<hbm>> -> memref<32x1x1x512xf32, #tpu.memory_space<hbm>>
      %dma_wait3A_377 = arith.constant 0 : i32
      %dma_wait3A_378 = arith.constant 0 : i32
      %dma_wait3A_379 = arith.constant 0 : i32
      %dma_wait3A_380 = arith.constant 0 : i32
      %dma_wait3A_381 = tpu.memref_slice %arg7[%dma_wait3A_359, %dma_wait3A_377, %dma_wait3A_378, %dma_wait3A_379, %dma_wait3A_380] : memref<4x32x1x1x512xf32, #tpu.memory_space<vmem>> -> memref<1x32x1x1x512xf32, #tpu.memory_space<vmem>>
      %dma_wait3A_382 = tpu.memref_squeeze %dma_wait3A_381 : memref<1x32x1x1x512xf32, #tpu.memory_space<vmem>> -> memref<32x1x1x512xf32, #tpu.memory_space<vmem>>
      tpu.wait_dma2 semaphore(%dma_wait3A_372 : memref<!tpu.dma_semaphore, #tpu.memory_space<semaphore_mem>>) src(%dma_wait3A_382 : memref<32x1x1x512xf32, #tpu.memory_space<vmem>>) dst(%dma_wait3A_376 : memref<32x1x1x512xf32, #tpu.memory_space<hbm>>)
      %lt3A_383 = arith.constant 3 : i32
      %lt3A_384 = arith.cmpi slt, %scan3A_83, %lt3A_383 : i32
      %convert_element_type3A_385 = arith.extui %lt3A_384 : i1 to i32
      %cond3A_386 = arith.constant 0 : i32
      %cond3A_387 = arith.cmpi ne, %convert_element_type3A_385, %cond3A_386 : i32
      scf.if %cond3A_387 {
        %add3A_424 = arith.constant 4 : i32
        %add3A_425 = arith.addi %add3A_355, %add3A_424 : i32
        %mul3A_426 = arith.constant 32 : i32
        %mul3A_427 = arith.muli %add3A_425, %mul3A_426 : i32
        %dma_start3A_428 = arith.constant 2 : i32
        %dma_start3A_429 = arith.constant 2 : i32
        %dma_start3A_430 = arith.constant 0 : i32
        %dma_start3A_431 = arith.constant 0 : i32
        %dma_start3A_432 = arith.constant 0 : i32
        %dma_start3A_433 = arith.constant 0 : i32
        %dma_start3A_434 = tpu.memref_slice %arg7[%dma_start3A_428, %dma_start3A_430, %dma_start3A_431, %dma_start3A_432, %dma_start3A_433] : memref<4x32x1x1x512xf32, #tpu.memory_space<vmem>> -> memref<1x32x1x1x512xf32, #tpu.memory_space<vmem>>
        %dma_start3A_435 = tpu.memref_squeeze %dma_start3A_434 : memref<1x32x1x1x512xf32, #tpu.memory_space<vmem>> -> memref<32x1x1x512xf32, #tpu.memory_space<vmem>>
        %dma_start3A_436 = tpu.memref_slice %arg6[%mul3A_427] : memref<512xi32, #tpu.memory_space<vmem>> -> memref<32xi32, #tpu.memory_space<vmem>>
        %dma_start3A_437 = arith.constant 0 : i32
        %dma_start3A_438 = arith.constant 0 : i32
        %dma_start3A_439 = arith.constant 0 : i32
        %dma_start3A_440 = arith.constant 0 : i32
        %dma_start3A_441 = tpu.memref_slice %arg5[%dma_start3A_437, %dma_start3A_438, %dma_start3A_439, %dma_start3A_440] : memref<1000x1x1x512xf32, #tpu.memory_space<vmem_shared>> -> memref<1000x1x1x512xf32, #tpu.memory_space<vmem_shared>>
        %dma_start3A_442 = tpu.memref_slice %arg8[%dma_start3A_429] : memref<4x!tpu.dma_semaphore, #tpu.memory_space<semaphore_mem>> -> memref<1x!tpu.dma_semaphore, #tpu.memory_space<semaphore_mem>>
        %dma_start3A_443 = tpu.memref_squeeze %dma_start3A_442 : memref<1x!tpu.dma_semaphore, #tpu.memory_space<semaphore_mem>> -> memref<!tpu.dma_semaphore, #tpu.memory_space<semaphore_mem>>
        tpu.enqueue_indirect_dma source(%dma_start3A_441 : memref<1000x1x1x512xf32, #tpu.memory_space<vmem_shared>>) target(%dma_start3A_435 : memref<32x1x1x512xf32, #tpu.memory_space<vmem>>) offsets(%dma_start3A_436 : memref<32xi32, #tpu.memory_space<vmem>>) semaphore(%dma_start3A_443 : memref<!tpu.dma_semaphore, #tpu.memory_space<semaphore_mem>>)
      } else {
      }
      %mul3A_388 = arith.constant 4 : i32
      %mul3A_389 = arith.muli %scan3A_83, %mul3A_388 : i32
      %add3A_390 = arith.constant 3 : i32
      %add3A_391 = arith.addi %mul3A_389, %add3A_390 : i32
      %mul3A_392 = arith.constant 32 : i32
      %mul3A_393 = arith.muli %add3A_391, %mul3A_392 : i32
      %add3A_394 = arith.addi %mul3A_2, %mul3A_393 : i32
      %dma_wait3A_395 = arith.constant 3 : i32
      %dma_wait3A_396 = arith.constant 3 : i32
      %dma_wait3A_397 = arith.constant 0 : i32
      %dma_wait3A_398 = arith.constant 0 : i32
      %dma_wait3A_399 = arith.constant 0 : i32
      %dma_wait3A_400 = arith.constant 0 : i32
      %dma_wait3A_401 = tpu.memref_slice %arg7[%dma_wait3A_395, %dma_wait3A_397, %dma_wait3A_398, %dma_wait3A_399, %dma_wait3A_400] : memref<4x32x1x1x512xf32, #tpu.memory_space<vmem>> -> memref<1x32x1x1x512xf32, #tpu.memory_space<vmem>>
      %dma_wait3A_402 = tpu.memref_squeeze %dma_wait3A_401 : memref<1x32x1x1x512xf32, #tpu.memory_space<vmem>> -> memref<32x1x1x512xf32, #tpu.memory_space<vmem>>
      %dma_wait3A_403 = arith.constant 0 : i32
      %dma_wait3A_404 = arith.constant 0 : i32
      %dma_wait3A_405 = arith.constant 0 : i32
      %dma_wait3A_406 = tpu.memref_slice %arg4[%add3A_394, %dma_wait3A_403, %dma_wait3A_404, %dma_wait3A_405] : memref<16384x1x1x512xf32, #tpu.memory_space<hbm>> -> memref<32x1x1x512xf32, #tpu.memory_space<hbm>>
      %dma_wait3A_407 = tpu.memref_slice %arg9[%dma_wait3A_396] : memref<4x!tpu.dma_semaphore, #tpu.memory_space<semaphore_mem>> -> memref<1x!tpu.dma_semaphore, #tpu.memory_space<semaphore_mem>>
      %dma_wait3A_408 = tpu.memref_squeeze %dma_wait3A_407 : memref<1x!tpu.dma_semaphore, #tpu.memory_space<semaphore_mem>> -> memref<!tpu.dma_semaphore, #tpu.memory_space<semaphore_mem>>
      %dma_wait3A_409 = arith.constant 0 : i32
      %dma_wait3A_410 = arith.constant 0 : i32
      %dma_wait3A_411 = arith.constant 0 : i32
      %dma_wait3A_412 = tpu.memref_slice %arg4[%add3A_394, %dma_wait3A_409, %dma_wait3A_410, %dma_wait3A_411] : memref<16384x1x1x512xf32, #tpu.memory_space<hbm>> -> memref<32x1x1x512xf32, #tpu.memory_space<hbm>>
      %dma_wait3A_413 = arith.constant 0 : i32
      %dma_wait3A_414 = arith.constant 0 : i32
      %dma_wait3A_415 = arith.constant 0 : i32
      %dma_wait3A_416 = arith.constant 0 : i32
      %dma_wait3A_417 = tpu.memref_slice %arg7[%dma_wait3A_395, %dma_wait3A_413, %dma_wait3A_414, %dma_wait3A_415, %dma_wait3A_416] : memref<4x32x1x1x512xf32, #tpu.memory_space<vmem>> -> memref<1x32x1x1x512xf32, #tpu.memory_space<vmem>>
      %dma_wait3A_418 = tpu.memref_squeeze %dma_wait3A_417 : memref<1x32x1x1x512xf32, #tpu.memory_space<vmem>> -> memref<32x1x1x512xf32, #tpu.memory_space<vmem>>
      tpu.wait_dma2 semaphore(%dma_wait3A_408 : memref<!tpu.dma_semaphore, #tpu.memory_space<semaphore_mem>>) src(%dma_wait3A_418 : memref<32x1x1x512xf32, #tpu.memory_space<vmem>>) dst(%dma_wait3A_412 : memref<32x1x1x512xf32, #tpu.memory_space<hbm>>)
      %lt3A_419 = arith.constant 3 : i32
      %lt3A_420 = arith.cmpi slt, %scan3A_83, %lt3A_419 : i32
      %convert_element_type3A_421 = arith.extui %lt3A_420 : i1 to i32
      %cond3A_422 = arith.constant 0 : i32
      %cond3A_423 = arith.cmpi ne, %convert_element_type3A_421, %cond3A_422 : i32
      scf.if %cond3A_423 {
        %add3A_424 = arith.constant 4 : i32
        %add3A_425 = arith.addi %add3A_391, %add3A_424 : i32
        %mul3A_426 = arith.constant 32 : i32
        %mul3A_427 = arith.muli %add3A_425, %mul3A_426 : i32
        %dma_start3A_428 = arith.constant 3 : i32
        %dma_start3A_429 = arith.constant 3 : i32
        %dma_start3A_430 = arith.constant 0 : i32
        %dma_start3A_431 = arith.constant 0 : i32
        %dma_start3A_432 = arith.constant 0 : i32
        %dma_start3A_433 = arith.constant 0 : i32
        %dma_start3A_434 = tpu.memref_slice %arg7[%dma_start3A_428, %dma_start3A_430, %dma_start3A_431, %dma_start3A_432, %dma_start3A_433] : memref<4x32x1x1x512xf32, #tpu.memory_space<vmem>> -> memref<1x32x1x1x512xf32, #tpu.memory_space<vmem>>
        %dma_start3A_435 = tpu.memref_squeeze %dma_start3A_434 : memref<1x32x1x1x512xf32, #tpu.memory_space<vmem>> -> memref<32x1x1x512xf32, #tpu.memory_space<vmem>>
        %dma_start3A_436 = tpu.memref_slice %arg6[%mul3A_427] : memref<512xi32, #tpu.memory_space<vmem>> -> memref<32xi32, #tpu.memory_space<vmem>>
        %dma_start3A_437 = arith.constant 0 : i32
        %dma_start3A_438 = arith.constant 0 : i32
        %dma_start3A_439 = arith.constant 0 : i32
        %dma_start3A_440 = arith.constant 0 : i32
        %dma_start3A_441 = tpu.memref_slice %arg5[%dma_start3A_437, %dma_start3A_438, %dma_start3A_439, %dma_start3A_440] : memref<1000x1x1x512xf32, #tpu.memory_space<vmem_shared>> -> memref<1000x1x1x512xf32, #tpu.memory_space<vmem_shared>>
        %dma_start3A_442 = tpu.memref_slice %arg8[%dma_start3A_429] : memref<4x!tpu.dma_semaphore, #tpu.memory_space<semaphore_mem>> -> memref<1x!tpu.dma_semaphore, #tpu.memory_space<semaphore_mem>>
        %dma_start3A_443 = tpu.memref_squeeze %dma_start3A_442 : memref<1x!tpu.dma_semaphore, #tpu.memory_space<semaphore_mem>> -> memref<!tpu.dma_semaphore, #tpu.memory_space<semaphore_mem>>
        tpu.enqueue_indirect_dma source(%dma_start3A_441 : memref<1000x1x1x512xf32, #tpu.memory_space<vmem_shared>>) target(%dma_start3A_435 : memref<32x1x1x512xf32, #tpu.memory_space<vmem>>) offsets(%dma_start3A_436 : memref<32xi32, #tpu.memory_space<vmem>>) semaphore(%dma_start3A_443 : memref<!tpu.dma_semaphore, #tpu.memory_space<semaphore_mem>>)
      } else {
      }
    }
    %scan3A_82 = arith.constant 4 : i32
    return
  }
}

</mosaic_0001>

<sc_bundles>
// kernel: kernel.3.cloned.1.call-start
scs
__scs_entry_jumppad:
0x0: {  	(pc) =	sbr.rel $0x88, $3  }
0x1: {  	(tag) =	ssettag $0x0;
	lr =	simm.s32 $0x1  }
0x2: {  	[smem:$0x3F9F] =	sst lr;
	_ =	strace $0xD0000000  }
0x3: {  	_ = 	snop  }
0x4: {  	_ = 	snop  }
0x5: {  	_ = 	snop  }
0x6: {  	_ = 	snop  }
0x7: {  	_ = 	snop  }
__scs_overlays_trampoline_lowered:
0x8: {  	[smem:$0x3FAE] =	sst s0  }
0x9: {  	[smem:$0x3FAF] =	sst s1  }
0xa: {  	[smem:$0x3FB0] =	sst s2  }
0xb: {  	[smem:$0x3FB1] =	sst s3  }
0xc: {  	[smem:$0x3FB2] =	sst s4  }
0xd: {  	[smem:$0x3FB3] =	sst s5  }
0xe: {  	[smem:$0x3FB4] =	sst s6  }
0xf: {  	[smem:$0x3FB5] =	sst s7  }
0x10: {  	[smem:$0x3FB6] =	sst s8  }
0x11: {  	[smem:$0x3FB7] =	sst s9;
	s0 =	simm.s32 @!p0 $0x0  }
0x12: {  	s1 =	sld [smem:$0x3F9D];
	s0 =	simm.s32 @p0 $0x1  }
0x13: {  	[smem:$0x3FB8] =	sst s0;
	s0 =	simm.s32 @!p1 $0x0  }
0x14: {  	s2 =	sld [smem:$0x3F9C];
	s0 =	simm.s32 @p1 $0x1  }
0x15: {  	[smem:$0x3FB9] =	sst s0;
	s0 =	simm.s32 @!p2 $0x0  }
0x16: {  	s3 =	sld [smem:$0x3FDB];
	s0 =	simm.s32 @p2 $0x1  }
0x17: {  	s4 =	simm.s32 $0x1BF5;
	[smem:$0x3FBB] =	sst s0  }
0x18: {  	s0 =	sld [smem:$0x3F9E];
	_ =	swait.ge [sflag:s4], $0x0  }
0x19: {  	s7 =	sld [smem:$0x3F9F]  }
0x1a: {  	s8 =	sadd.s32 $0xFFFFE003, lr  }
0x1b: {  	s9 =	sadd.s32 $0xFFFFFEF7, lr;
	s5 =	simm.s32 $0xFFFFFFFF;
	p2 =	slt.u32 s8, $0xFFFFF086  }
0x1c: {  	p1 =	slt.u32 s9, $0xF7A;
	s5 =	simm.s32 @!p2 $0x0  }
0x1d: {  	s5 =	simm.s32 @p1 $0x1;
	p0 =	seq.s32 s7, s2  }
0x1e: {  	s7 =	smul.u32 @!p0 $0xF7A, s2;
	p2 =	seq.s32 @!p0 s5, $0x0  }
0x1f: {  	s9 =	smul.u32 $0xF7A, s1;
	s8 =	simm.s32 @!p0 $0x1BF5;
	p2 =	por !p2, p0  }
0x20: {  	[sflag:s8] =	ssyncset.s32 @!p0 $0xFFFFF086;
	s6 =	sadd.s32 @!p0 s3, s7;
	s7 =	simm.s32 @!p0 $0x108  }
0x21: {  	s3 =	sadd.s32 s3, s9;
	s6 =	sadd.s32 @!p0 $0x88, s6;
	s7 =	simm.s32 @p2 $0x1082  }
0x22: {  	[simem:s7], [sflag:s8] =	dma.local @!p0 [hbm:s6], $0xF7A  }
0x23: {  	s9 =	sor.u32 $0xD0000000, s2;
	s6 =	simm.s32 $0x108;
	_ =	swait.ge @!p0 [sflag:s8], $0x0  }
0x24: {  	s3 =	sadd.s32 $0x88, s3;
	s6 =	simm.s32 @!p1 $0x1082;
	[sflag:s4] =	ssyncset.s32 $0xFFFFF086  }
0x25: {  	[simem:s6], [sflag:s4] =	dma.local [hbm:s3], $0xF7A  }
0x26: {  	[smem:$0x3F9F] =	sst s1;
	(tag) =	ssettag s2;
	_ =	strace s9  }
0x27: {  	s1 =	sld [smem:$0x3FAF]  }
0x28: {  	s2 =	sld [smem:$0x3FB0]  }
0x29: {  	s4 =	sld [smem:$0x3FB2]  }
0x2a: {  	p0 =	seq.s32 s5, $0x0;
	s5 =	sld [smem:$0x3FB3]  }
0x2b: {  	s6 =	sld [smem:$0x3FB4]  }
0x2c: {  	s7 =	sld [smem:$0x3FB5]  }
0x2d: {  	s3 =	simm.s32 $0x108;
	s8 =	sld [smem:$0x3FB6]  }
0x2e: {  	s3 =	simm.s32 @!p0 $0x1082;
	s9 =	sld [smem:$0x3FB7]  }
0x2f: {  	lr =	sadd.s32 s0, s3;
	s0 =	sld [smem:$0x3FAE]  }
0x30: {  	s3 =	sld [smem:$0x3FB1]  }
0x31: {  	[smem:$0x3FBA] =	sst s10  }
0x32: {  	s10 =	sld [smem:$0x3FB8];
	_ =	sdelay $0x3  }
0x33: {  	p0 =	seq.s32 s10, $0x1;
	s10 =	sld [smem:$0x3FBA];
	_ =	sdelay $0x3  }
0x34: {  	[smem:$0x3FBA] =	sst s10  }
0x35: {  	s10 =	sld [smem:$0x3FB9];
	_ =	sdelay $0x3  }
0x36: {  	p1 =	seq.s32 s10, $0x1;
	s10 =	sld [smem:$0x3FBA];
	_ =	sdelay $0x3  }
0x37: {  	[smem:$0x3FBA] =	sst s10  }
0x38: {  	s10 =	sld [smem:$0x3FBB]  }
0x39: {  	_ = 	snop;
	(pc) =	sbr.ind lr, $3  }
0x3a: {  	_ = 	snop  }
0x3b: {  	_ = 	snop  }
0x3c: {  	p2 =	seq.s32 s10, $0x1;
	s10 =	sld [smem:$0x3FBA]  }
0x3d: {  	_ =	shalt  }
0x3e: {  	_ =	shalt  }
0x3f: {  	_ =	shalt  }
0x40: {  	_ =	shalt  }
0x41: {  	_ =	shalt  }
0x42: {  	_ =	shalt  }
0x43: {  	_ =	shalt  }
0x44: {  	_ =	shalt  }
0x45: {  	_ =	shalt  }
0x46: {  	_ =	shalt  }
0x47: {  	_ =	shalt  }
0x48: {  	_ =	shalt  }
0x49: {  	_ =	shalt  }
0x4a: {  	_ =	shalt  }
0x4b: {  	_ =	shalt  }
0x4c: {  	_ =	shalt  }
0x4d: {  	_ =	shalt  }
0x4e: {  	_ =	shalt  }
0x4f: {  	_ =	shalt  }
0x50: {  	_ =	shalt  }
0x51: {  	_ =	shalt  }
0x52: {  	_ =	shalt  }
0x53: {  	_ =	shalt  }
0x54: {  	_ =	shalt  }
0x55: {  	_ =	shalt  }
0x56: {  	_ =	shalt  }
0x57: {  	_ =	shalt  }
0x58: {  	_ =	shalt  }
0x59: {  	_ =	shalt  }
0x5a: {  	_ =	shalt  }
0x5b: {  	_ =	shalt  }
0x5c: {  	_ =	shalt  }
0x5d: {  	_ =	shalt  }
0x5e: {  	_ =	shalt  }
0x5f: {  	_ =	shalt  }
0x60: {  	_ =	shalt  }
0x61: {  	_ =	shalt  }
0x62: {  	_ =	shalt  }
0x63: {  	_ =	shalt  }
0x64: {  	_ =	shalt  }
0x65: {  	_ =	shalt  }
0x66: {  	_ =	shalt  }
0x67: {  	_ =	shalt  }
0x68: {  	_ =	shalt  }
0x69: {  	_ =	shalt  }
0x6a: {  	_ =	shalt  }
0x6b: {  	_ =	shalt  }
0x6c: {  	_ =	shalt  }
0x6d: {  	_ =	shalt  }
0x6e: {  	_ =	shalt  }
0x6f: {  	_ =	shalt  }
0x70: {  	_ =	shalt  }
0x71: {  	_ =	shalt  }
0x72: {  	_ =	shalt  }
0x73: {  	_ =	shalt  }
0x74: {  	_ =	shalt  }
0x75: {  	_ =	shalt  }
0x76: {  	_ =	shalt  }
0x77: {  	_ =	shalt  }
0x78: {  	_ =	shalt  }
0x79: {  	_ =	shalt  }
0x7a: {  	_ =	shalt  }
0x7b: {  	_ =	shalt  }
0x7c: {  	_ =	shalt  }
0x7d: {  	_ =	shalt  }
0x7e: {  	_ =	shalt  }
0x7f: {  	_ =	shalt  }
0x80: {  	_ =	shalt  }
0x81: {  	_ =	shalt  }
0x82: {  	_ =	shalt  }
0x83: {  	_ =	shalt  }
0x84: {  	_ =	shalt  }
0x85: {  	_ =	shalt  }
0x86: {  	_ =	shalt  }
0x87: {  	_ =	shalt  }
.Lfunc_end0:
.L_simem_size_0:
called_computation_lowered:
.L_overlay_start_0:
0x88: {  	s2 =	sld [smem:$0x3FD9]  }
0x89: {  	s3 =	sld [smem:$0x3FFE];
	_ =	sdelay $0x1  }
0x8a: {  	s1 =	srdreg.scid  }
0x8b: {  	s0 =	sand.u32 $0x1, s1  }
0x8c: {  	s17 =	sshll.u32 s0, $0xA;
	s2 =	sadd.s32 s3, s2  }
0x8d: {  	s2 =	sadd.s32 s2, s17  }
0x8e: {  	[smem:$0x3FC6] =	sst s2  }
0x8f: {  	_ = 	snop  }
0x90: {  	s2 =	sld [smem:$0x3FC9]  }
0x91: {  	s18 =	sld [smem:$0x3FD0];
	(tm) =	ssettm $0x1  }
0x92: {  	s4 =	sld [smem:$0x3FFB];
	_ =	sdelay $0x3  }
0x93: {  	_ =	strace s4  }
0x94: {  	s4 =	sld [smem:$0x3FFC];
	_ =	sdelay $0x3  }
0x95: {  	_ =	strace s4  }
0x96: {  	s4 =	sld [smem:$0x3FFD];
	_ =	sdelay $0x3  }
0x97: {  	_ =	strace s4  }
0x98: {  	_ =	strace $0x8FFFFFFF  }
0x99: {  	s19 =	sld [smem:$0x3FDB];
	_ =	sdelay $0x1  }
0x9a: {  	s5 =	simm.s32 $_scs_section_size  }
0x9b: {  	s6 =	simm.s32 $_size__tile_overlayer_lowered;
	s7 =	simm.s32 $_tile_overlayer_lowered  }
0x9c: {  	s22 =	simm.s32 $0x1BFF;
	s21 =	sshll.u32 s7, $0x1;
	s4 =	sadd.s32 s5, s19  }
0x9d: {  	s8 =	simm.s32 $0x0;
	s20 =	sshll.u32 s6, $0x1;
	s6 =	sadd.s32 s21, s4  }
0x9e: {  	[timem:s8], [sflag:s22] =	dma.local [hbm:s6], s20  }
0x9f: {  	_ =	swait.ge [sflag:s22], s20  }
0xa0: {  	s5 =	ssub.s32 $0x0, s20;
	[sflag:s22] =	ssyncset.done $0x0  }
0xa1: {  	[sflag:s22] =	ssyncadd.s32 s5;
	_ =	sdelay $0x1  }
0xa2: {  	s23 =	simm.s32 $0x1B8B  }
0xa3: {  	_ =	swait.ge [sflag:s23], $0x1  }
0xa4: {  	[sflag:s23] =	ssyncset.done $0x0  }
0xa5: {  	s25 =	simm.s32 $0x1B8E;
	s24 =	sld [smem:$0x3FFE];
	[sflag:s23] =	ssyncadd.s32 $0xFFFFFFFF  }
0xa6: {  	s26 =	simm.s32 $execute0_lowered;
	[smem:$0x3FD2] =	sst s25  }
0xa7: {  	s6 =	sshll.u32 s26, $0x1;
	_ =	strace $0x80000046;
	[dreg:$0x1] =	wrdreg $0xFFFFFFFF  }
0xa8: {  	s28 =	simm.s32 $_size_execute0_lowered;
	s4 =	sadd.s32 s4, s6;
	[dreg:$0x0] =	wrdreg $0x0  }
0xa9: {  	s6 =	sshll.u32 s28, $0x1;
	[dreg:$0x2] =	wrdreg s4  }
0xaa: {  	[dreg:$0x3] =	wrdreg s6  }
0xab: {  	[dreg:$0x4] =	wrdreg $0xC0  }
0xac: {  	_ =	task [dreg:s8], $0x5FFFF  }
0xad: {  	[dreg:$0x1] =	wrdreg $0xFFFFFFFF  }
0xae: {  	[dreg:$0x0] =	wrdreg $0x60  }
0xaf: {  	[dreg:$0x2] =	wrdreg s2  }
0xb0: {  	[dreg:$0x3] =	wrdreg s24  }
0xb1: {  	[dreg:$0x4] =	wrdreg s18  }
0xb2: {  	[dreg:$0x5] =	wrdreg $0x0  }
0xb3: {  	[dreg:$0x6] =	wrdreg $0x9  }
0xb4: {  	_ =	task.clear_ibuf [dreg:s8], $0x7FFFF;
	_ =	strace $0x90000046  }
0xb5: {  	s29 =	simm.s32 $0x9;
	_ =	strace $0x80000048  }
0xb6: {  	_ =	swait.ge [sflag:s29], $0x1  }
0xb7: {  	[sflag:s29] =	ssyncadd.s32 $0xFFFFFFFF  }
0xb8: {  	_ =	strace $0x90000048  }
0xb9: {  	_ =	sfence  }
0xba: {  	s30 =	sld [smem:$0x0];
	_ =	sdelay $0x2  }
0xbb: {  	s31 =	sshll.u32 s1, $0xD;
	s1 =	sshrl.u32 s1, $0x2  }
0xbc: {  	s3 =	sand.u32 $0x4000, s31;
	s1 =	sadd.s32 s1, s30  }
0xbd: {  	s0 =	sor.u32 s3, s0;
	s1 =	sshll.u32 s1, $0x11  }
0xbe: {  	s0 =	sor.u32 s1, s0  }
0xbf: {  	s0 =	sadd.s32 $0x8F2B, s0  }
0xc0: {  	[sflag:s0] =	ssyncadd.remote.s32 $0x1  }
0xc1: {  	_ =	sfence.sel $0xFFFF  }
0xc2: {  	[dreg:$0x0] =	wrdreg $0xFFFFFFFF;
	(pc) =	sbr.abs _section_cstart, $3  }
0xc3: {  	[dreg:$0x1] =	wrdreg $0xFFFFFFFF  }
0xc4: {  	_ =	task.clear_ibuf [dreg:s8], $0x2FFFF;
	_ =	strace $0x9FFFFFFF  }
0xc5: {  	(tm) =	ssettm $0x7FFFFFFF  }
tec
execute0_lowered:
.L_overlay_start_1:
0x0: {  	(tag) =	ssettag $0x1  }
0x1: {  	s0 =	rddreg [dreg:$0x0]  }
0x2: {  	s1 =	rddreg [dreg:$0x1]  }
0x3: {  	s7 =	rddreg [dreg:$0x2]  }
0x4: {  	s2 =	rddreg [dreg:$0x3];
	s3 =	simm.s32 $0x0;
	s11 =	stileid.u32  }
0x5: {  	s4 =	srdreg.scid;
	s13 =	simm.s32 $0x9;
	s14 =	simm.s32 $0x20  }
0x6: {  	s15 =	simm.s32 $0x7F00;
	s17 =	simm.s32 $0xBF00;
	s19 =	simm.s32 $0xFF00  }
0x7: {  	s20 =	simm.s32 $0x7D60;
	s21 =	simm.s32 $0x13F00;
	s28 =	simm.s32 $0x6  }
0x8: {  	s29 =	simm.s32 $0x7;
	s30 =	simm.s32 $0x8;
	s31 =	simm.s32 $0x0  }
0x9: {  	[smem:$0x7FF] =	sst s3;
	s5 =	smul.u32 $0x7E00, s11;
	s8 =	sand.u32 $0x1, s4  }
0xa: {  	s22 =	sshll.u32 s11, $0xA;
	s25 =	sshll.u32 s11, $0x10;
	p0 =	seq.s32 s11, $0xF  }
0xb: {  	_ =	strace $0x80000047;
	s6 =	sshll.u32 s8, $0x9;
	s10 =	ssub.s32 $0x2, s8  }
0xc: {  	s26 =	sshll.u32 s8, $0xF;
	s9 =	sshrl.u32 s5, $0x3;
	s4 =	sor.u32 s6, s22  }
0xd: {  	s24 =	sshrl.u32 s10, $0x1;
	s12 =	sadd.s32 s5, s2;
	s6 =	sadd.s32 $0xF040, s1  }
0xe: {  	s22 =	simm.s32 $0x1;
	s23 =	sadd.s32 s9, s1;
	s4 =	sshrl.u32 s4, $0x3  }
0xf: {  	s9 =	ssub.s32 s10, s24;
	s10 =	sadd.s32 $0x76200, s2;
	s1 =	sshll.u32 @!p0 s11, $0x6  }
.Ltmp0:
0x10: {  	s12 =	sshrl.u32 @!p0 s12, $0x3;
	s24 =	simm.s32 $0x3;
	(pc) =	sbr.rel .LBB2_1-.Ltmp0, $4  }
0x11: {  	s4 =	sadd.s32 s0, s4;
	s5 =	sadd.s32 $0x400, s23;
	s0 =	sadd.s32 s25, s7  }
0x12: {  	s7 =	smax.u32 s9, $0x1;
	s9 =	simm.s32 $0x7D00;
	s10 =	sshrl.u32 @p0 s10, $0x3  }
0x13: {  	s11 =	sor.u32 @!p0 $0x1C0A, s1;
	s23 =	simm.s32 $0x2;
	s0 =	sadd.s32 s26, s0  }
0x14: {  	s25 =	simm.s32 $0x4;
	s26 =	simm.s32 $0x5;
	s0 =	sadd.s32 $0x1800, s0  }
.LBB2_4:
0x15: {  	_ =	swait.ge [sflag:s28], $0x4000  }
0x16: {  	[sflag:s28] =	ssyncset.done $0x0  }
0x17: {  	s31 =	sadd.s32 $0x1, s31;
	[sflag:s28] =	ssyncadd.s32 $0xFFFFC000  }
0x18: {  	p1 =	sne.s32 s31, s7;
	_ =	swait.ge [sflag:s29], $0x4000  }
.Ltmp1:
0x19: {  	[sflag:s29] =	ssyncset.done $0x0;
	(pc) =	sbr.rel @!p1 .LBB2_5-.Ltmp1, $4  }
0x1a: {  	[sflag:s29] =	ssyncadd.s32 $0xFFFFC000  }
0x1b: {  	_ =	swait.ge [sflag:s30], $0x4000  }
0x1c: {  	[sflag:s30] =	ssyncset.done $0x0  }
0x1d: {  	[sflag:s30] =	ssyncadd.s32 $0xFFFFC000  }
.LBB2_1:
0x1e: {  	[tilespmem:s9], [sflag:$0x9] =	stream.linear.gather [hbm4b:s4+s3], $0x200, $0x38;
	[tilespmem:$0x17F00] =	vst v63  }
0x1f: {  	s1 =	simm.s32 @p0 $0x1FCA  }
0x20: {  	[spmem:s10], [sflag:s1] =	dma.local @p0 [hbm:s6], $0xDC0  }
0x21: {  	s1 =	simm.s32 @p0 $0xA  }
0x22: {  	_ =	swait.ge @p0 [sflag:s1], $0xDC0  }
0x23: {  	[sflag:s1] =	ssyncset.done @p0 $0x0  }
0x24: {  	[sflag:s1] =	ssyncadd.s32 @p0 $0xFFFFF240;
	s1 =	simm.s32 @!p0 $0xA  }
0x25: {  	[spmem:s12], [sflag:s11] =	dma.local @!p0 [hbm:s5], $0xFC0  }
0x26: {  	_ =	swait.ge @!p0 [sflag:s1], $0xFC0  }
0x27: {  	[sflag:s1] =	ssyncset.done @!p0 $0x0  }
0x28: {  	[sflag:s1] =	ssyncadd.s32 @!p0 $0xFFFFF040  }
0x29: {  	_ =	swait.ge [sflag:s13], $0x200  }
0x2a: {  	[sflag:s13] =	ssyncset.done $0x0  }
0x2b: {  	[sflag:s13] =	ssyncadd.s32 $0xFFFFFE00  }
0x2c: {  	[bflag:$0x0] =	sbarrier.arrive $0xFFFF  }
0x2d: {  	[tilespmem:s15], [sflag:$0x1] =	stream.indirect.gather [spmem:s2], $0x200, s9, s14, $0xb8;
	[tilespmem:$0x17F00] =	vst v63  }
0x2e: {  	s16 =	simm.s32 $0x7D20  }
0x2f: {  	[tilespmem:s17], [sflag:$0x2] =	stream.indirect.gather [spmem:s2], $0x200, s16, s14, $0xb8;
	[tilespmem:$0x17F00] =	vst v63  }
0x30: {  	s18 =	simm.s32 $0x7D40  }
0x31: {  	[tilespmem:s19], [sflag:$0x3] =	stream.indirect.gather [spmem:s2], $0x200, s18, s14, $0xb8;
	[tilespmem:$0x17F00] =	vst v63  }
0x32: {  	s8 =	smov.u32 s0;
	s1 =	simm.s32 $0x0  }
0x33: {  	[tilespmem:s21], [sflag:$0x4] =	stream.indirect.gather [spmem:s2], $0x200, s20, s14, $0xb8;
	[tilespmem:$0x17F00] =	vst v63  }
.LBB2_2:
0x34: {  	_ =	swait.ge [sflag:s22], $0x4000  }
0x35: {  	[sflag:s22] =	ssyncset.done $0x0  }
0x36: {  	s16 =	sadd.s32 $0xFFFFE800, s8;
	[sflag:s22] =	ssyncadd.s32 $0xFFFFC000  }
0x37: {  	[hbm4b:s16+s3] =	stream.linear.scatter [tilespmem:s15], [sflag:$0x5], $0x4000, $0x38;
	[tilespmem:$0x17F00] =	vst v63  }
0x38: {  	_ =	swait.ge [sflag:s23], $0x4000  }
0x39: {  	[sflag:s23] =	ssyncset.done $0x0  }
0x3a: {  	s18 =	sadd.s32 $0xFFFFF000, s8;
	[sflag:s23] =	ssyncadd.s32 $0xFFFFC000  }
0x3b: {  	[hbm4b:s18+s3] =	stream.linear.scatter [tilespmem:s17], [sflag:$0x6], $0x4000, $0x38;
	[tilespmem:$0x17F00] =	vst v63  }
0x3c: {  	_ =	swait.ge [sflag:s24], $0x4000  }
0x3d: {  	[sflag:s24] =	ssyncset.done $0x0  }
0x3e: {  	s18 =	sadd.s32 $0xFFFFF800, s8;
	[sflag:s24] =	ssyncadd.s32 $0xFFFFC000  }
0x3f: {  	[hbm4b:s18+s3] =	stream.linear.scatter [tilespmem:s19], [sflag:$0x7], $0x4000, $0x38;
	[tilespmem:$0x17F00] =	vst v63  }
0x40: {  	_ =	swait.ge [sflag:s25], $0x4000  }
0x41: {  	p1 =	seq.s32 s1, $0x600;
	[sflag:s25] =	ssyncset.done $0x0  }
.Ltmp2:
0x42: {  	[sflag:s25] =	ssyncadd.s32 $0xFFFFC000;
	(pc) =	sbr.rel @p1 .LBB2_4-.Ltmp2, $4  }
0x43: {  	[hbm4b:s8+s3] =	stream.linear.scatter [tilespmem:s21], [sflag:$0x8], $0x4000, $0x38;
	[tilespmem:$0x17F00] =	vst v63  }
0x44: {  	_ =	swait.ge [sflag:s26], $0x4000  }
0x45: {  	[sflag:s26] =	ssyncset.done $0x0  }
0x46: {  	[sflag:s26] =	ssyncadd.s32 $0xFFFFC000  }
0x47: {  	s16 =	sshra.s32 s1, $0x2  }
0x48: {  	s18 =	sadd.s32 $0x7D80, s16  }
0x49: {  	[tilespmem:s15], [sflag:$0x1] =	stream.indirect.gather [spmem:s2], $0x200, s18, s14, $0xb8;
	[tilespmem:$0x17F00] =	vst v63  }
0x4a: {  	_ =	swait.ge [sflag:s28], $0x4000  }
0x4b: {  	[sflag:s28] =	ssyncset.done $0x0  }
0x4c: {  	s18 =	sadd.s32 $0x7DA0, s16;
	[sflag:s28] =	ssyncadd.s32 $0xFFFFC000  }
0x4d: {  	[tilespmem:s17], [sflag:$0x2] =	stream.indirect.gather [spmem:s2], $0x200, s18, s14, $0xb8;
	[tilespmem:$0x17F00] =	vst v63  }
0x4e: {  	_ =	swait.ge [sflag:s29], $0x4000  }
0x4f: {  	[sflag:s29] =	ssyncset.done $0x0  }
0x50: {  	s18 =	sadd.s32 $0x7DC0, s16;
	[sflag:s29] =	ssyncadd.s32 $0xFFFFC000  }
0x51: {  	[tilespmem:s19], [sflag:$0x3] =	stream.indirect.gather [spmem:s2], $0x200, s18, s14, $0xb8;
	[tilespmem:$0x17F00] =	vst v63  }
.Ltmp3:
0x52: {  	_ = 	snop;
	(pc) =	sbr.rel .LBB2_2-.Ltmp3, $4  }
0x53: {  	_ =	swait.ge [sflag:s30], $0x4000  }
0x54: {  	s1 =	sadd.s32 $0x200, s1;
	[sflag:s30] =	ssyncset.done $0x0  }
0x55: {  	s8 =	sadd.s32 $0x2000, s8;
	s16 =	sadd.s32 $0x7DE0, s16;
	[sflag:s30] =	ssyncadd.s32 $0xFFFFC000  }
0x56: {  	[tilespmem:s21], [sflag:$0x4] =	stream.indirect.gather [spmem:s2], $0x200, s16, s14, $0xb8;
	[tilespmem:$0x17F00] =	vst v63  }
.LBB2_5:
0x57: {  	_ =	sfence.sel $0x180000  }
0x58: {  	[bflag:$0x0] =	sbarrier.arrive $0xFFFF  }
0x59: {  	_ =	strace $0x90000047  }
0x5a: {  	s0 =	stileid.u32;
	[bflag:$0x2] =	sbarrier.arrive $0xFFFF  }
0x5b: {  	p0 =	sne.s32 s0, $0x0;
	s0 =	rddreg [dreg:$0x4]  }
0x5c: {  	s0 =	sadd.s32 @!p0 $0x100000, s0  }
0x5d: {  	[sflag:s0] =	ssyncadd.tile.s32 @!p0 $0x1;
	_ =	shalt  }
.Lfunc_end2:
_tile_overlayer_lowered:
.L_overlay_start_2:
0x5e: {  	(tag) =	ssettag $0x2  }
0x5f: {  	s0 =	rddreg [dreg:$0x0];
	s2 =	stileid.u32  }
0x60: {  	s1 =	rddreg [dreg:$0x1];
	p0 =	sne.s32 s2, $0x0  }
0x61: {  	s3 =	rddreg [dreg:$0x2];
	[bflag:$0x3] =	sbarrier.arrive $0xFFFF;
	s2 =	simm.s32 @!p0 $0x1C0A  }
0x62: {  	[timem:s3], [sflag:s2] =	dma.local @!p0 [hbm:s0], s1  }
0x63: {  	s0 =	simm.s32 @!p0 $0xA  }
0x64: {  	_ =	swait.ge @!p0 [sflag:s0], s1  }
0x65: {  	s1 =	ssub.s32 @!p0 $0x0, s1;
	[sflag:s0] =	ssyncset.done @!p0 $0x0  }
0x66: {  	[sflag:s0] =	ssyncadd.s32 @!p0 s1  }
0x67: {  	[bflag:$0x3] =	sbarrier.arrive $0xFFFF  }
0x68: {  	_ =	shalt  }

</sc_bundles>
